<compile_context>
chip_gen: v7x
topology: tpu7x:2x2x1
jax: 0.10.2.dev20260603
libtpu: 0.0.44.dev20260713+nightly
codegen_flags: <defaults>
</compile_context>

<pallas_src>
import functools

import jax
import jax.numpy as jnp
from jax import lax
from jax.experimental import pallas as pl
from jax.experimental.pallas import tpu as pltpu
from jax.experimental.pallas import tpu_sc as plsc

D_INPUT = 128
MINUTE_SIZE = 4
HOUR_SIZE = 24
WEEKDAY_SIZE = 7
N_TIME = MINUTE_SIZE * HOUR_SIZE
N_FUSED = N_TIME * WEEKDAY_SIZE

_CHUNK = 256


def _make_lookup(n_rows: int):
    info = plsc.get_sparse_core_info()
    nc, ns, nl = info.num_cores, info.num_subcores, info.num_lanes
    nw = nc * ns
    n_per_w = n_rows // nw
    assert n_rows % (nw * 2 * _CHUNK) == 0
    n_pairs = n_per_w // (2 * _CHUNK)
    rows_per_tile = N_FUSED // ns
    nseg = D_INPUT // nl

    mesh = plsc.VectorSubcoreMesh(core_axis_name="c", subcore_axis_name="s")

    @functools.partial(
        pl.kernel,
        mesh=mesh,
        out_type=jax.ShapeDtypeStruct((n_rows, D_INPUT), jnp.float32),
        scratch_types=[
            pltpu.VMEM((MINUTE_SIZE, D_INPUT), jnp.float32),
            pltpu.VMEM((HOUR_SIZE, D_INPUT), jnp.float32),
            pltpu.VMEM((WEEKDAY_SIZE, D_INPUT), jnp.float32),
            pltpu.VMEM((_CHUNK,), jnp.int32),
            pltpu.VMEM((_CHUNK,), jnp.int32),
            pltpu.VMEM((_CHUNK,), jnp.int32),
            pltpu.VMEM((_CHUNK,), jnp.int32),
            pltpu.VMEM((_CHUNK // 128, 128), jnp.int32),
            pltpu.VMEM((_CHUNK // 128, 128), jnp.int32),
            pltpu.VMEM((_CHUNK, D_INPUT), jnp.float32),
            pltpu.VMEM((_CHUNK, D_INPUT), jnp.float32),
            pltpu.VMEM_SHARED((N_FUSED, D_INPUT), jnp.float32),
            pltpu.SemaphoreType.DMA,
            pltpu.SemaphoreType.DMA,
            pltpu.SemaphoreType.DMA,
            pltpu.SemaphoreType.DMA,
            pltpu.SemaphoreType.DMA,
            pltpu.SemaphoreType.DMA,
        ],
    )
    def lookup(
        min_hbm, hr_hbm, wd_hbm, t_hbm, w_hbm, out_hbm,
        min_v, hr_v, wdt_v, t0, t1, w0, w1, idx0, idx1, rows0, rows1,
        shared_tbl,
        gsem0, gsem1, ssem0, ssem1, lsem0, lsem1,
    ):
        sid = lax.axis_index("s")
        wid = sid * nc + lax.axis_index("c")
        base_w = wid * n_per_w

        pltpu.sync_copy(min_hbm, min_v)
        pltpu.sync_copy(hr_hbm, hr_v)
        pltpu.sync_copy(wd_hbm, wdt_v)

        row0 = sid * rows_per_tile

        def build_row(k, carry):
            r = row0 + k
            t96 = r // WEEKDAY_SIZE
            wd = r % WEEKDAY_SIZE
            h = t96 // MINUTE_SIZE
            m = t96 % MINUTE_SIZE
            for seg in range(nseg):
                sl = pl.ds(seg * nl, nl)
                rows0[k, sl] = hr_v[h, sl] + min_v[m, sl] + wdt_v[wd, sl]
            return carry

        lax.fori_loop(0, rows_per_tile, build_row, 0)
        pltpu.sync_copy(
            rows0.at[pl.ds(0, rows_per_tile)],
            shared_tbl.at[pl.ds(row0, rows_per_tile)],
        )
        plsc.subcore_barrier()

        idx_bufs = (idx0, idx1)
        row_bufs = (rows0, rows1)
        gather_sems = (gsem0, gsem1)
        store_sems = (ssem0, ssem1)
        t_bufs = (t0, t1)
        w_bufs = (w0, w1)
        load_sems = (lsem0, lsem1)

        def _wait_gather_and_store(pb, pbase):
            pltpu.make_async_copy(
                out_hbm.at[pl.ds(0, _CHUNK)], row_bufs[pb], gather_sems[pb]
            ).wait()
            pltpu.async_copy(
                row_bufs[pb],
                out_hbm.at[pl.ds(pbase, _CHUNK)],
                store_sems[pb],
            )

        pltpu.async_copy(t_hbm.at[pl.ds(base_w, _CHUNK)], t0, lsem0)
        pltpu.async_copy(w_hbm.at[pl.ds(base_w, _CHUNK)], w0, lsem0)

        def body(gg, carry):
            for b in range(2):
                idxb, rowsb = idx_bufs[b], row_bufs[b]
                tb, wb, lsemb = t_bufs[b], w_bufs[b], load_sems[b]
                base = base_w + (gg * 2 + b) * _CHUNK

                pltpu.make_async_copy(
                    t_hbm.at[pl.ds(base, _CHUNK)], tb, lsemb
                ).wait()
                pltpu.make_async_copy(
                    w_hbm.at[pl.ds(base, _CHUNK)], wb, lsemb
                ).wait()

                nb = 1 - b
                nbase = base + _CHUNK

                def _prefetch(nb=nb, nbase=nbase):
                    pltpu.async_copy(
                        t_hbm.at[pl.ds(nbase, _CHUNK)], t_bufs[nb],
                        load_sems[nb],
                    )
                    pltpu.async_copy(
                        w_hbm.at[pl.ds(nbase, _CHUNK)], w_bufs[nb],
                        load_sems[nb],
                    )

                if b == 0:
                    _prefetch()
                else:
                    pl.when(gg + 1 < n_pairs)(_prefetch)

                for i in range(_CHUNK // nl):
                    t = tb[pl.ds(i * nl, nl)]
                    w = wb[pl.ds(i * nl, nl)]
                    idxb[i // (128 // nl), pl.ds((i % (128 // nl)) * nl, nl)] = (
                        t * WEEKDAY_SIZE + w
                    )

                @pl.when(gg > 0)
                def _drain(rowsb=rowsb, b=b, base=base):
                    pltpu.make_async_copy(
                        rowsb, out_hbm.at[pl.ds(base, _CHUNK)], store_sems[b]
                    ).wait()

                for j in range(_CHUNK // 128):
                    pltpu.async_copy(
                        shared_tbl.at[idxb.at[j]],
                        rowsb.at[pl.ds(j * 128, 128)],
                        gather_sems[b],
                    )

                if b == 1:
                    _wait_gather_and_store(0, base - _CHUNK)
                else:
                    pl.when(gg > 0)(
                        functools.partial(
                            _wait_gather_and_store, 1, base - _CHUNK
                        )
                    )
            return carry

        lax.fori_loop(0, n_pairs, body, 0)

        last_base = base_w + n_per_w - _CHUNK
        pltpu.make_async_copy(
            out_hbm.at[pl.ds(0, _CHUNK)], rows1, gsem1
        ).wait()
        pltpu.async_copy(rows1, out_hbm.at[pl.ds(last_base, _CHUNK)], ssem1)
        pltpu.make_async_copy(
            rows0, out_hbm.at[pl.ds(base_w, _CHUNK)], ssem0
        ).wait()
        pltpu.make_async_copy(
            rows1, out_hbm.at[pl.ds(base_w, _CHUNK)], ssem1
        ).wait()

    return lookup


def kernel(time, weekday, minute_embed, hour_embed, weekday_embed):
    b, t = time.shape
    n = b * t
    t_flat = time.reshape(n).astype(jnp.int32)
    w_flat = weekday.reshape(n).astype(jnp.int32)
    out = _make_lookup(n)(
        minute_embed, hour_embed, weekday_embed, t_flat, w_flat
    )
    return out.reshape(b, t, D_INPUT)

# --- scband reference (transcript-rebuilt; emitter-appended) ---
"""Pipeline reference for scband-temporal-embedding-29772713296066 (READ-ONLY COPY).

The authoritative reference and input builder live on the scoring server;
editing this copy changes nothing except your own understanding.
"""

import jax, jax.numpy as jnp
import numpy as np

D_INPUT = 128
MINUTE_SIZE = 4
HOUR_SIZE = 24
WEEKDAY_SIZE = 7


def setup_inputs(seed: int = 0) -> dict:
    key = jax.random.key(seed)
    k1, k2, k3, k4, k5 = jax.random.split(key, 5)
    time = jax.random.randint(k1, (4096, 200), 0, MINUTE_SIZE * HOUR_SIZE, dtype=jnp.int64 if jax.config.jax_enable_x64 else jnp.int32)
    weekday = jax.random.randint(k2, (4096, 200), 0, WEEKDAY_SIZE, dtype=jnp.int64 if jax.config.jax_enable_x64 else jnp.int32)
    minute_embed = jax.random.normal(k3, (MINUTE_SIZE, D_INPUT), dtype=jnp.float32)
    hour_embed = jax.random.normal(k4, (HOUR_SIZE, D_INPUT), dtype=jnp.float32)
    weekday_embed = jax.random.normal(k5, (WEEKDAY_SIZE, D_INPUT), dtype=jnp.float32)
    return {
        "time": time,
        "weekday": weekday,
        "minute_embed": minute_embed,
        "hour_embed": hour_embed,
        "weekday_embed": weekday_embed,
    }


def reference(time, weekday, minute_embed, hour_embed, weekday_embed):
    # emb_info == 'all' branch of TemporalEmbedding.forward
    hour = time // MINUTE_SIZE  # rounding_mode='floor' on non-negative ints
    minutes = time % 4
    minute_x = jnp.take(minute_embed, minutes, axis=0)
    hour_x = jnp.take(hour_embed, hour, axis=0)
    weekday_x = jnp.take(weekday_embed, weekday, axis=0)
    return hour_x + minute_x + weekday_x

if __name__ == "__main__":
    import jax
    _d = setup_inputs()
    print(jax.jit(kernel)(*tuple(_d.values())))

</pallas_src>

<mosaic_0001>
#map = affine_map<(d0, d1) -> (0, 0)>
#map1 = affine_map<(d0, d1) -> (0)>
module attributes {stable_mosaic.version = 14 : i64} {
  func.func @lookup(%arg0: i32, %arg1: i32, %arg2: memref<4x128xf32, #tpu.memory_space<hbm>>, %arg3: memref<24x128xf32, #tpu.memory_space<hbm>>, %arg4: memref<7x128xf32, #tpu.memory_space<hbm>>, %arg5: memref<819200xi32, #tpu.memory_space<hbm>>, %arg6: memref<819200xi32, #tpu.memory_space<hbm>>, %arg7: memref<819200x128xf32, #tpu.memory_space<hbm>>, %arg8: memref<4x128xf32, #tpu.memory_space<vmem>>, %arg9: memref<24x128xf32, #tpu.memory_space<vmem>>, %arg10: memref<7x128xf32, #tpu.memory_space<vmem>>, %arg11: memref<256xi32, #tpu.memory_space<vmem>>, %arg12: memref<256xi32, #tpu.memory_space<vmem>>, %arg13: memref<256xi32, #tpu.memory_space<vmem>>, %arg14: memref<256xi32, #tpu.memory_space<vmem>>, %arg15: memref<2x128xi32, #tpu.memory_space<vmem>>, %arg16: memref<2x128xi32, #tpu.memory_space<vmem>>, %arg17: memref<256x128xf32, #tpu.memory_space<vmem>>, %arg18: memref<256x128xf32, #tpu.memory_space<vmem>>, %arg19: memref<672x128xf32, #tpu.memory_space<vmem_shared>>, %arg20: memref<!tpu.dma_semaphore, #tpu.memory_space<semaphore_mem>>, %arg21: memref<!tpu.dma_semaphore, #tpu.memory_space<semaphore_mem>>, %arg22: memref<!tpu.dma_semaphore, #tpu.memory_space<semaphore_mem>>, %arg23: memref<!tpu.dma_semaphore, #tpu.memory_space<semaphore_mem>>, %arg24: memref<!tpu.dma_semaphore, #tpu.memory_space<semaphore_mem>>, %arg25: memref<!tpu.dma_semaphore, #tpu.memory_space<semaphore_mem>>) attributes {dimension_semantics = [#tpu.dimension_semantics<core_parallel>, #tpu.dimension_semantics<subcore_parallel>], iteration_bounds = array<i64: 2, 16>, scalar_prefetch = 0 : i64, scratch_operands = 18 : i64, tpu.core_type = #tpu.core_type<sc_vector_subcore>, window_params = [{transform_indices = #map}, {transform_indices = #map}, {transform_indices = #map}, {transform_indices = #map1}, {transform_indices = #map1}, {transform_indices = #map}]} {
    %mul3A = arith.constant 2 : i32
    %mul3A_0 = arith.muli %arg1, %mul3A : i32
    %add3A = arith.addi %mul3A_0, %arg0 : i32
    %mul3A_1 = arith.constant 25600 : i32
    %mul3A_2 = arith.muli %add3A, %mul3A_1 : i32
    "tpu.region"() ({
      %run_scoped3A = tpu.sem_alloc : memref<!tpu.dma_semaphore, #tpu.memory_space<semaphore_mem>>
      tpu.enqueue_dma source(%arg2 : memref<4x128xf32, #tpu.memory_space<hbm>>) target(%arg8 : memref<4x128xf32, #tpu.memory_space<vmem>>) target_semaphore(%run_scoped3A : memref<!tpu.dma_semaphore, #tpu.memory_space<semaphore_mem>>)
      tpu.wait_dma2 semaphore(%run_scoped3A : memref<!tpu.dma_semaphore, #tpu.memory_space<semaphore_mem>>) src(%arg2 : memref<4x128xf32, #tpu.memory_space<hbm>>) dst(%arg8 : memref<4x128xf32, #tpu.memory_space<vmem>>)
      tpu.yield
    }) : () -> ()
    "tpu.region"() ({
      %run_scoped3A = tpu.sem_alloc : memref<!tpu.dma_semaphore, #tpu.memory_space<semaphore_mem>>
      tpu.enqueue_dma source(%arg3 : memref<24x128xf32, #tpu.memory_space<hbm>>) target(%arg9 : memref<24x128xf32, #tpu.memory_space<vmem>>) target_semaphore(%run_scoped3A : memref<!tpu.dma_semaphore, #tpu.memory_space<semaphore_mem>>)
      tpu.wait_dma2 semaphore(%run_scoped3A : memref<!tpu.dma_semaphore, #tpu.memory_space<semaphore_mem>>) src(%arg3 : memref<24x128xf32, #tpu.memory_space<hbm>>) dst(%arg9 : memref<24x128xf32, #tpu.memory_space<vmem>>)
      tpu.yield
    }) : () -> ()
    "tpu.region"() ({
      %run_scoped3A = tpu.sem_alloc : memref<!tpu.dma_semaphore, #tpu.memory_space<semaphore_mem>>
      tpu.enqueue_dma source(%arg4 : memref<7x128xf32, #tpu.memory_space<hbm>>) target(%arg10 : memref<7x128xf32, #tpu.memory_space<vmem>>) target_semaphore(%run_scoped3A : memref<!tpu.dma_semaphore, #tpu.memory_space<semaphore_mem>>)
      tpu.wait_dma2 semaphore(%run_scoped3A : memref<!tpu.dma_semaphore, #tpu.memory_space<semaphore_mem>>) src(%arg4 : memref<7x128xf32, #tpu.memory_space<hbm>>) dst(%arg10 : memref<7x128xf32, #tpu.memory_space<vmem>>)
      tpu.yield
    }) : () -> ()
    %mul3A_3 = arith.constant 42 : i32
    %mul3A_4 = arith.muli %arg1, %mul3A_3 : i32
    %scan3A = arith.constant 0 : i32
    %scan3A_5 = arith.constant 0 : i32
    %scan3A_6 = arith.constant 42 : i32
    %scan3A_7 = arith.addi %scan3A_5, %scan3A_6 : i32
    %scan3A_8 = arith.constant 1 : i32
    scf.for %scan3A_39 = %scan3A_5 to %scan3A_7 step %scan3A_8  : i32 {
      %add3A_40 = arith.addi %mul3A_4, %scan3A_39 : i32
      %jit3A = arith.constant 7 : i32
      %div3A = arith.divsi %add3A_40, %jit3A : i32
      %sign3A = arith.constant 0 : i32
      %sign3A_41 = arith.cmpi sgt, %add3A_40, %sign3A : i32
      %sign3A_42 = arith.extui %sign3A_41 : i1 to i32
      %sign3A_43 = arith.constant 0 : i32
      %sign3A_44 = arith.cmpi slt, %add3A_40, %sign3A_43 : i32
      %sign3A_45 = arith.extui %sign3A_44 : i1 to i32
      %sign3A_46 = arith.subi %sign3A_42, %sign3A_45 : i32
      %sign3A_47 = arith.constant 0 : i32
      %sign3A_48 = arith.cmpi sgt, %jit3A, %sign3A_47 : i32
      %sign3A_49 = arith.extui %sign3A_48 : i1 to i32
      %sign3A_50 = arith.constant 0 : i32
      %sign3A_51 = arith.cmpi slt, %jit3A, %sign3A_50 : i32
      %sign3A_52 = arith.extui %sign3A_51 : i1 to i32
      %sign3A_53 = arith.subi %sign3A_49, %sign3A_52 : i32
      %ne3A = arith.cmpi ne, %sign3A_46, %sign3A_53 : i32
      %rem3A = arith.remsi %add3A_40, %jit3A : i32
      %ne3A_54 = arith.constant 0 : i32
      %ne3A_55 = arith.cmpi ne, %rem3A, %ne3A_54 : i32
      %and3A = arith.andi %ne3A, %ne3A_55 : i1
      %sub3A_56 = arith.constant 1 : i32
      %sub3A_57 = arith.subi %div3A, %sub3A_56 : i32
      %select_n3A = arith.select %and3A, %sub3A_57, %div3A : i32
      %jit3A_58 = arith.constant 7 : i32
      %eq3A = arith.constant 0 : i32
      %eq3A_59 = arith.cmpi eq, %jit3A_58, %eq3A : i32
      %jit3A_60 = arith.constant 1 : i32
      %select_n3A_61 = arith.select %eq3A_59, %jit3A_60, %jit3A_58 : i32
      %rem3A_62 = arith.remsi %add3A_40, %select_n3A_61 : i32
      %ne3A_63 = arith.constant 0 : i32
      %ne3A_64 = arith.cmpi ne, %rem3A_62, %ne3A_63 : i32
      %lt3A = arith.constant 0 : i32
      %lt3A_65 = arith.cmpi slt, %rem3A_62, %lt3A : i32
      %lt3A_66 = arith.constant 0 : i32
      %lt3A_67 = arith.cmpi slt, %select_n3A_61, %lt3A_66 : i32
      %ne3A_68 = arith.xori %lt3A_65, %lt3A_67 : i1
      %and3A_69 = arith.andi %ne3A_68, %ne3A_64 : i1
      %add3A_70 = arith.addi %rem3A_62, %select_n3A_61 : i32
      %select_n3A_71 = arith.select %and3A_69, %add3A_70, %rem3A_62 : i32
      %jit3A_72 = arith.constant 4 : i32
      %div3A_73 = arith.divsi %select_n3A, %jit3A_72 : i32
      %sign3A_74 = arith.constant 0 : i32
      %sign3A_75 = arith.cmpi sgt, %select_n3A, %sign3A_74 : i32
      %sign3A_76 = arith.extui %sign3A_75 : i1 to i32
      %sign3A_77 = arith.constant 0 : i32
      %sign3A_78 = arith.cmpi slt, %select_n3A, %sign3A_77 : i32
      %sign3A_79 = arith.extui %sign3A_78 : i1 to i32
      %sign3A_80 = arith.subi %sign3A_76, %sign3A_79 : i32
      %sign3A_81 = arith.constant 0 : i32
      %sign3A_82 = arith.cmpi sgt, %jit3A_72, %sign3A_81 : i32
      %sign3A_83 = arith.extui %sign3A_82 : i1 to i32
      %sign3A_84 = arith.constant 0 : i32
      %sign3A_85 = arith.cmpi slt, %jit3A_72, %sign3A_84 : i32
      %sign3A_86 = arith.extui %sign3A_85 : i1 to i32
      %sign3A_87 = arith.subi %sign3A_83, %sign3A_86 : i32
      %ne3A_88 = arith.cmpi ne, %sign3A_80, %sign3A_87 : i32
      %rem3A_89 = arith.remsi %select_n3A, %jit3A_72 : i32
      %ne3A_90 = arith.constant 0 : i32
      %ne3A_91 = arith.cmpi ne, %rem3A_89, %ne3A_90 : i32
      %and3A_92 = arith.andi %ne3A_88, %ne3A_91 : i1
      %sub3A_93 = arith.constant 1 : i32
      %sub3A_94 = arith.subi %div3A_73, %sub3A_93 : i32
      %select_n3A_95 = arith.select %and3A_92, %sub3A_94, %div3A_73 : i32
      %jit3A_96 = arith.constant 4 : i32
      %eq3A_97 = arith.constant 0 : i32
      %eq3A_98 = arith.cmpi eq, %jit3A_96, %eq3A_97 : i32
      %jit3A_99 = arith.constant 1 : i32
      %select_n3A_100 = arith.select %eq3A_98, %jit3A_99, %jit3A_96 : i32
      %rem3A_101 = arith.remsi %select_n3A, %select_n3A_100 : i32
      %ne3A_102 = arith.constant 0 : i32
      %ne3A_103 = arith.cmpi ne, %rem3A_101, %ne3A_102 : i32
      %lt3A_104 = arith.constant 0 : i32
      %lt3A_105 = arith.cmpi slt, %rem3A_101, %lt3A_104 : i32
      %lt3A_106 = arith.constant 0 : i32
      %lt3A_107 = arith.cmpi slt, %select_n3A_100, %lt3A_106 : i32
      %ne3A_108 = arith.xori %lt3A_105, %lt3A_107 : i1
      %and3A_109 = arith.andi %ne3A_108, %ne3A_103 : i1
      %add3A_110 = arith.addi %rem3A_101, %select_n3A_100 : i32
      %select_n3A_111 = arith.select %and3A_109, %add3A_110, %rem3A_101 : i32
      %get3A = arith.index_cast %select_n3A_95 : i32 to index
      %get3A_112 = arith.constant 0 : index
      %get3A_113 = tpu.vector_load %arg9[%get3A, %get3A_112] {strides = array<i32>} : memref<24x128xf32, #tpu.memory_space<vmem>>, vector<1x16xf32>,
      %get3A_114 = vector.shape_cast %get3A_113 : vector<1x16xf32> to vector<16xf32>
      %get3A_115 = arith.index_cast %select_n3A_111 : i32 to index
      %get3A_116 = arith.constant 0 : index
      %get3A_117 = tpu.vector_load %arg8[%get3A_115, %get3A_116] {strides = array<i32>} : memref<4x128xf32, #tpu.memory_space<vmem>>, vector<1x16xf32>,
      %get3A_118 = vector.shape_cast %get3A_117 : vector<1x16xf32> to vector<16xf32>
      %add3A_119 = arith.addf %get3A_114, %get3A_118 : vector<16xf32>
      %get3A_120 = arith.index_cast %select_n3A_71 : i32 to index
      %get3A_121 = arith.constant 0 : index
      %get3A_122 = tpu.vector_load %arg10[%get3A_120, %get3A_121] {strides = array<i32>} : memref<7x128xf32, #tpu.memory_space<vmem>>, vector<1x16xf32>,
      %get3A_123 = vector.shape_cast %get3A_122 : vector<1x16xf32> to vector<16xf32>
      %add3A_124 = arith.addf %add3A_119, %get3A_123 : vector<16xf32>
      %swap3A = arith.index_cast %scan3A_39 : i32 to index
      %swap3A_125 = arith.constant 0 : index
      %swap3A_126 = tpu.vector_load %arg17[%swap3A, %swap3A_125] {strides = array<i32>} : memref<256x128xf32, #tpu.memory_space<vmem>>, vector<1x16xf32>,
      %swap3A_127 = vector.shape_cast %swap3A_126 : vector<1x16xf32> to vector<16xf32>
      %swap3A_128 = vector.shape_cast %add3A_124 : vector<16xf32> to vector<1x16xf32>
      tpu.vector_store %arg17[%swap3A, %swap3A_125], %swap3A_128 {strides = array<i32>} : memref<256x128xf32, #tpu.memory_space<vmem>>, vector<1x16xf32>,
      %get3A_129 = arith.index_cast %select_n3A_95 : i32 to index
      %get3A_130 = arith.constant 16 : index
      %get3A_131 = tpu.vector_load %arg9[%get3A_129, %get3A_130] {strides = array<i32>} : memref<24x128xf32, #tpu.memory_space<vmem>>, vector<1x16xf32>,
      %get3A_132 = vector.shape_cast %get3A_131 : vector<1x16xf32> to vector<16xf32>
      %get3A_133 = arith.index_cast %select_n3A_111 : i32 to index
      %get3A_134 = arith.constant 16 : index
      %get3A_135 = tpu.vector_load %arg8[%get3A_133, %get3A_134] {strides = array<i32>} : memref<4x128xf32, #tpu.memory_space<vmem>>, vector<1x16xf32>,
      %get3A_136 = vector.shape_cast %get3A_135 : vector<1x16xf32> to vector<16xf32>
      %add3A_137 = arith.addf %get3A_132, %get3A_136 : vector<16xf32>
      %get3A_138 = arith.index_cast %select_n3A_71 : i32 to index
      %get3A_139 = arith.constant 16 : index
      %get3A_140 = tpu.vector_load %arg10[%get3A_138, %get3A_139] {strides = array<i32>} : memref<7x128xf32, #tpu.memory_space<vmem>>, vector<1x16xf32>,
      %get3A_141 = vector.shape_cast %get3A_140 : vector<1x16xf32> to vector<16xf32>
      %add3A_142 = arith.addf %add3A_137, %get3A_141 : vector<16xf32>
      %swap3A_143 = arith.index_cast %scan3A_39 : i32 to index
      %swap3A_144 = arith.constant 16 : index
      %swap3A_145 = tpu.vector_load %arg17[%swap3A_143, %swap3A_144] {strides = array<i32>} : memref<256x128xf32, #tpu.memory_space<vmem>>, vector<1x16xf32>,
      %swap3A_146 = vector.shape_cast %swap3A_145 : vector<1x16xf32> to vector<16xf32>
      %swap3A_147 = vector.shape_cast %add3A_142 : vector<16xf32> to vector<1x16xf32>
      tpu.vector_store %arg17[%swap3A_143, %swap3A_144], %swap3A_147 {strides = array<i32>} : memref<256x128xf32, #tpu.memory_space<vmem>>, vector<1x16xf32>,
      %get3A_148 = arith.index_cast %select_n3A_95 : i32 to index
      %get3A_149 = arith.constant 32 : index
      %get3A_150 = tpu.vector_load %arg9[%get3A_148, %get3A_149] {strides = array<i32>} : memref<24x128xf32, #tpu.memory_space<vmem>>, vector<1x16xf32>,
      %get3A_151 = vector.shape_cast %get3A_150 : vector<1x16xf32> to vector<16xf32>
      %get3A_152 = arith.index_cast %select_n3A_111 : i32 to index
      %get3A_153 = arith.constant 32 : index
      %get3A_154 = tpu.vector_load %arg8[%get3A_152, %get3A_153] {strides = array<i32>} : memref<4x128xf32, #tpu.memory_space<vmem>>, vector<1x16xf32>,
      %get3A_155 = vector.shape_cast %get3A_154 : vector<1x16xf32> to vector<16xf32>
      %add3A_156 = arith.addf %get3A_151, %get3A_155 : vector<16xf32>
      %get3A_157 = arith.index_cast %select_n3A_71 : i32 to index
      %get3A_158 = arith.constant 32 : index
      %get3A_159 = tpu.vector_load %arg10[%get3A_157, %get3A_158] {strides = array<i32>} : memref<7x128xf32, #tpu.memory_space<vmem>>, vector<1x16xf32>,
      %get3A_160 = vector.shape_cast %get3A_159 : vector<1x16xf32> to vector<16xf32>
      %add3A_161 = arith.addf %add3A_156, %get3A_160 : vector<16xf32>
      %swap3A_162 = arith.index_cast %scan3A_39 : i32 to index
      %swap3A_163 = arith.constant 32 : index
      %swap3A_164 = tpu.vector_load %arg17[%swap3A_162, %swap3A_163] {strides = array<i32>} : memref<256x128xf32, #tpu.memory_space<vmem>>, vector<1x16xf32>,
      %swap3A_165 = vector.shape_cast %swap3A_164 : vector<1x16xf32> to vector<16xf32>
      %swap3A_166 = vector.shape_cast %add3A_161 : vector<16xf32> to vector<1x16xf32>
      tpu.vector_store %arg17[%swap3A_162, %swap3A_163], %swap3A_166 {strides = array<i32>} : memref<256x128xf32, #tpu.memory_space<vmem>>, vector<1x16xf32>,
      %get3A_167 = arith.index_cast %select_n3A_95 : i32 to index
      %get3A_168 = arith.constant 48 : index
      %get3A_169 = tpu.vector_load %arg9[%get3A_167, %get3A_168] {strides = array<i32>} : memref<24x128xf32, #tpu.memory_space<vmem>>, vector<1x16xf32>,
      %get3A_170 = vector.shape_cast %get3A_169 : vector<1x16xf32> to vector<16xf32>
      %get3A_171 = arith.index_cast %select_n3A_111 : i32 to index
      %get3A_172 = arith.constant 48 : index
      %get3A_173 = tpu.vector_load %arg8[%get3A_171, %get3A_172] {strides = array<i32>} : memref<4x128xf32, #tpu.memory_space<vmem>>, vector<1x16xf32>,
      %get3A_174 = vector.shape_cast %get3A_173 : vector<1x16xf32> to vector<16xf32>
      %add3A_175 = arith.addf %get3A_170, %get3A_174 : vector<16xf32>
      %get3A_176 = arith.index_cast %select_n3A_71 : i32 to index
      %get3A_177 = arith.constant 48 : index
      %get3A_178 = tpu.vector_load %arg10[%get3A_176, %get3A_177] {strides = array<i32>} : memref<7x128xf32, #tpu.memory_space<vmem>>, vector<1x16xf32>,
      %get3A_179 = vector.shape_cast %get3A_178 : vector<1x16xf32> to vector<16xf32>
      %add3A_180 = arith.addf %add3A_175, %get3A_179 : vector<16xf32>
      %swap3A_181 = arith.index_cast %scan3A_39 : i32 to index
      %swap3A_182 = arith.constant 48 : index
      %swap3A_183 = tpu.vector_load %arg17[%swap3A_181, %swap3A_182] {strides = array<i32>} : memref<256x128xf32, #tpu.memory_space<vmem>>, vector<1x16xf32>,
      %swap3A_184 = vector.shape_cast %swap3A_183 : vector<1x16xf32> to vector<16xf32>
      %swap3A_185 = vector.shape_cast %add3A_180 : vector<16xf32> to vector<1x16xf32>
      tpu.vector_store %arg17[%swap3A_181, %swap3A_182], %swap3A_185 {strides = array<i32>} : memref<256x128xf32, #tpu.memory_space<vmem>>, vector<1x16xf32>,
      %get3A_186 = arith.index_cast %select_n3A_95 : i32 to index
      %get3A_187 = arith.constant 64 : index
      %get3A_188 = tpu.vector_load %arg9[%get3A_186, %get3A_187] {strides = array<i32>} : memref<24x128xf32, #tpu.memory_space<vmem>>, vector<1x16xf32>,
      %get3A_189 = vector.shape_cast %get3A_188 : vector<1x16xf32> to vector<16xf32>
      %get3A_190 = arith.index_cast %select_n3A_111 : i32 to index
      %get3A_191 = arith.constant 64 : index
      %get3A_192 = tpu.vector_load %arg8[%get3A_190, %get3A_191] {strides = array<i32>} : memref<4x128xf32, #tpu.memory_space<vmem>>, vector<1x16xf32>,
      %get3A_193 = vector.shape_cast %get3A_192 : vector<1x16xf32> to vector<16xf32>
      %add3A_194 = arith.addf %get3A_189, %get3A_193 : vector<16xf32>
      %get3A_195 = arith.index_cast %select_n3A_71 : i32 to index
      %get3A_196 = arith.constant 64 : index
      %get3A_197 = tpu.vector_load %arg10[%get3A_195, %get3A_196] {strides = array<i32>} : memref<7x128xf32, #tpu.memory_space<vmem>>, vector<1x16xf32>,
      %get3A_198 = vector.shape_cast %get3A_197 : vector<1x16xf32> to vector<16xf32>
      %add3A_199 = arith.addf %add3A_194, %get3A_198 : vector<16xf32>
      %swap3A_200 = arith.index_cast %scan3A_39 : i32 to index
      %swap3A_201 = arith.constant 64 : index
      %swap3A_202 = tpu.vector_load %arg17[%swap3A_200, %swap3A_201] {strides = array<i32>} : memref<256x128xf32, #tpu.memory_space<vmem>>, vector<1x16xf32>,
      %swap3A_203 = vector.shape_cast %swap3A_202 : vector<1x16xf32> to vector<16xf32>
      %swap3A_204 = vector.shape_cast %add3A_199 : vector<16xf32> to vector<1x16xf32>
      tpu.vector_store %arg17[%swap3A_200, %swap3A_201], %swap3A_204 {strides = array<i32>} : memref<256x128xf32, #tpu.memory_space<vmem>>, vector<1x16xf32>,
      %get3A_205 = arith.index_cast %select_n3A_95 : i32 to index
      %get3A_206 = arith.constant 80 : index
      %get3A_207 = tpu.vector_load %arg9[%get3A_205, %get3A_206] {strides = array<i32>} : memref<24x128xf32, #tpu.memory_space<vmem>>, vector<1x16xf32>,
      %get3A_208 = vector.shape_cast %get3A_207 : vector<1x16xf32> to vector<16xf32>
      %get3A_209 = arith.index_cast %select_n3A_111 : i32 to index
      %get3A_210 = arith.constant 80 : index
      %get3A_211 = tpu.vector_load %arg8[%get3A_209, %get3A_210] {strides = array<i32>} : memref<4x128xf32, #tpu.memory_space<vmem>>, vector<1x16xf32>,
      %get3A_212 = vector.shape_cast %get3A_211 : vector<1x16xf32> to vector<16xf32>
      %add3A_213 = arith.addf %get3A_208, %get3A_212 : vector<16xf32>
      %get3A_214 = arith.index_cast %select_n3A_71 : i32 to index
      %get3A_215 = arith.constant 80 : index
      %get3A_216 = tpu.vector_load %arg10[%get3A_214, %get3A_215] {strides = array<i32>} : memref<7x128xf32, #tpu.memory_space<vmem>>, vector<1x16xf32>,
      %get3A_217 = vector.shape_cast %get3A_216 : vector<1x16xf32> to vector<16xf32>
      %add3A_218 = arith.addf %add3A_213, %get3A_217 : vector<16xf32>
      %swap3A_219 = arith.index_cast %scan3A_39 : i32 to index
      %swap3A_220 = arith.constant 80 : index
      %swap3A_221 = tpu.vector_load %arg17[%swap3A_219, %swap3A_220] {strides = array<i32>} : memref<256x128xf32, #tpu.memory_space<vmem>>, vector<1x16xf32>,
      %swap3A_222 = vector.shape_cast %swap3A_221 : vector<1x16xf32> to vector<16xf32>
      %swap3A_223 = vector.shape_cast %add3A_218 : vector<16xf32> to vector<1x16xf32>
      tpu.vector_store %arg17[%swap3A_219, %swap3A_220], %swap3A_223 {strides = array<i32>} : memref<256x128xf32, #tpu.memory_space<vmem>>, vector<1x16xf32>,
      %get3A_224 = arith.index_cast %select_n3A_95 : i32 to index
      %get3A_225 = arith.constant 96 : index
      %get3A_226 = tpu.vector_load %arg9[%get3A_224, %get3A_225] {strides = array<i32>} : memref<24x128xf32, #tpu.memory_space<vmem>>, vector<1x16xf32>,
      %get3A_227 = vector.shape_cast %get3A_226 : vector<1x16xf32> to vector<16xf32>
      %get3A_228 = arith.index_cast %select_n3A_111 : i32 to index
      %get3A_229 = arith.constant 96 : index
      %get3A_230 = tpu.vector_load %arg8[%get3A_228, %get3A_229] {strides = array<i32>} : memref<4x128xf32, #tpu.memory_space<vmem>>, vector<1x16xf32>,
      %get3A_231 = vector.shape_cast %get3A_230 : vector<1x16xf32> to vector<16xf32>
      %add3A_232 = arith.addf %get3A_227, %get3A_231 : vector<16xf32>
      %get3A_233 = arith.index_cast %select_n3A_71 : i32 to index
      %get3A_234 = arith.constant 96 : index
      %get3A_235 = tpu.vector_load %arg10[%get3A_233, %get3A_234] {strides = array<i32>} : memref<7x128xf32, #tpu.memory_space<vmem>>, vector<1x16xf32>,
      %get3A_236 = vector.shape_cast %get3A_235 : vector<1x16xf32> to vector<16xf32>
      %add3A_237 = arith.addf %add3A_232, %get3A_236 : vector<16xf32>
      %swap3A_238 = arith.index_cast %scan3A_39 : i32 to index
      %swap3A_239 = arith.constant 96 : index
      %swap3A_240 = tpu.vector_load %arg17[%swap3A_238, %swap3A_239] {strides = array<i32>} : memref<256x128xf32, #tpu.memory_space<vmem>>, vector<1x16xf32>,
      %swap3A_241 = vector.shape_cast %swap3A_240 : vector<1x16xf32> to vector<16xf32>
      %swap3A_242 = vector.shape_cast %add3A_237 : vector<16xf32> to vector<1x16xf32>
      tpu.vector_store %arg17[%swap3A_238, %swap3A_239], %swap3A_242 {strides = array<i32>} : memref<256x128xf32, #tpu.memory_space<vmem>>, vector<1x16xf32>,
      %get3A_243 = arith.index_cast %select_n3A_95 : i32 to index
      %get3A_244 = arith.constant 112 : index
      %get3A_245 = tpu.vector_load %arg9[%get3A_243, %get3A_244] {strides = array<i32>} : memref<24x128xf32, #tpu.memory_space<vmem>>, vector<1x16xf32>,
      %get3A_246 = vector.shape_cast %get3A_245 : vector<1x16xf32> to vector<16xf32>
      %get3A_247 = arith.index_cast %select_n3A_111 : i32 to index
      %get3A_248 = arith.constant 112 : index
      %get3A_249 = tpu.vector_load %arg8[%get3A_247, %get3A_248] {strides = array<i32>} : memref<4x128xf32, #tpu.memory_space<vmem>>, vector<1x16xf32>,
      %get3A_250 = vector.shape_cast %get3A_249 : vector<1x16xf32> to vector<16xf32>
      %add3A_251 = arith.addf %get3A_246, %get3A_250 : vector<16xf32>
      %get3A_252 = arith.index_cast %select_n3A_71 : i32 to index
      %get3A_253 = arith.constant 112 : index
      %get3A_254 = tpu.vector_load %arg10[%get3A_252, %get3A_253] {strides = array<i32>} : memref<7x128xf32, #tpu.memory_space<vmem>>, vector<1x16xf32>,
      %get3A_255 = vector.shape_cast %get3A_254 : vector<1x16xf32> to vector<16xf32>
      %add3A_256 = arith.addf %add3A_251, %get3A_255 : vector<16xf32>
      %swap3A_257 = arith.index_cast %scan3A_39 : i32 to index
      %swap3A_258 = arith.constant 112 : index
      %swap3A_259 = tpu.vector_load %arg17[%swap3A_257, %swap3A_258] {strides = array<i32>} : memref<256x128xf32, #tpu.memory_space<vmem>>, vector<1x16xf32>,
      %swap3A_260 = vector.shape_cast %swap3A_259 : vector<1x16xf32> to vector<16xf32>
      %swap3A_261 = vector.shape_cast %add3A_256 : vector<16xf32> to vector<1x16xf32>
      tpu.vector_store %arg17[%swap3A_257, %swap3A_258], %swap3A_261 {strides = array<i32>} : memref<256x128xf32, #tpu.memory_space<vmem>>, vector<1x16xf32>,
    }
    %scan3A_9 = arith.constant 42 : i32
    "tpu.region"() ({
      %run_scoped3A = tpu.sem_alloc : memref<!tpu.dma_semaphore, #tpu.memory_space<semaphore_mem>>
      %dma_start3A_39 = arith.constant 0 : i32
      %dma_start3A_40 = arith.constant 0 : i32
      %dma_start3A_41 = tpu.memref_slice %arg17[%dma_start3A_39, %dma_start3A_40] : memref<256x128xf32, #tpu.memory_space<vmem>> -> memref<42x128xf32, #tpu.memory_space<vmem>>
      %dma_start3A_42 = arith.constant 0 : i32
      %dma_start3A_43 = tpu.memref_slice %arg19[%mul3A_4, %dma_start3A_42] : memref<672x128xf32, #tpu.memory_space<vmem_shared>> -> memref<42x128xf32, #tpu.memory_space<vmem_shared>>
      %dma_start3A_44 = arith.constant 0 : i32
      %dma_start3A_45 = tpu.memref_slice %arg19[%mul3A_4, %dma_start3A_44] : memref<672x128xf32, #tpu.memory_space<vmem_shared>> -> memref<42x128xf32, #tpu.memory_space<vmem_shared>>
      %dma_start3A_46 = arith.constant 0 : i32
      %dma_start3A_47 = arith.constant 0 : i32
      %dma_start3A_48 = tpu.memref_slice %arg17[%dma_start3A_46, %dma_start3A_47] : memref<256x128xf32, #tpu.memory_space<vmem>> -> memref<42x128xf32, #tpu.memory_space<vmem>>
      tpu.enqueue_dma source(%dma_start3A_48 : memref<42x128xf32, #tpu.memory_space<vmem>>) target(%dma_start3A_45 : memref<42x128xf32, #tpu.memory_space<vmem_shared>>) target_semaphore(%run_scoped3A : memref<!tpu.dma_semaphore, #tpu.memory_space<semaphore_mem>>)
      %dma_wait3A_49 = arith.constant 0 : i32
      %dma_wait3A_50 = arith.constant 0 : i32
      %dma_wait3A_51 = tpu.memref_slice %arg17[%dma_wait3A_49, %dma_wait3A_50] : memref<256x128xf32, #tpu.memory_space<vmem>> -> memref<42x128xf32, #tpu.memory_space<vmem>>
      %dma_wait3A_52 = arith.constant 0 : i32
      %dma_wait3A_53 = tpu.memref_slice %arg19[%mul3A_4, %dma_wait3A_52] : memref<672x128xf32, #tpu.memory_space<vmem_shared>> -> memref<42x128xf32, #tpu.memory_space<vmem_shared>>
      %dma_wait3A_54 = arith.constant 0 : i32
      %dma_wait3A_55 = tpu.memref_slice %arg19[%mul3A_4, %dma_wait3A_54] : memref<672x128xf32, #tpu.memory_space<vmem_shared>> -> memref<42x128xf32, #tpu.memory_space<vmem_shared>>
      %dma_wait3A_56 = arith.constant 0 : i32
      %dma_wait3A_57 = arith.constant 0 : i32
      %dma_wait3A_58 = tpu.memref_slice %arg17[%dma_wait3A_56, %dma_wait3A_57] : memref<256x128xf32, #tpu.memory_space<vmem>> -> memref<42x128xf32, #tpu.memory_space<vmem>>
      tpu.wait_dma2 semaphore(%run_scoped3A : memref<!tpu.dma_semaphore, #tpu.memory_space<semaphore_mem>>) src(%dma_wait3A_58 : memref<42x128xf32, #tpu.memory_space<vmem>>) dst(%dma_wait3A_55 : memref<42x128xf32, #tpu.memory_space<vmem_shared>>)
      tpu.yield
    }) : () -> ()
    %barrier3A = arith.constant 0 : index
    tpu.barrier barrier_id(%barrier3A)
    %dma_start3A = tpu.memref_slice %arg5[%mul3A_2] : memref<819200xi32, #tpu.memory_space<hbm>> -> memref<256xi32, #tpu.memory_space<hbm>>
    %dma_start3A_10 = tpu.memref_slice %arg5[%mul3A_2] : memref<819200xi32, #tpu.memory_space<hbm>> -> memref<256xi32, #tpu.memory_space<hbm>>
    tpu.enqueue_dma source(%dma_start3A_10 : memref<256xi32, #tpu.memory_space<hbm>>) target(%arg11 : memref<256xi32, #tpu.memory_space<vmem>>) target_semaphore(%arg24 : memref<!tpu.dma_semaphore, #tpu.memory_space<semaphore_mem>>)
    %dma_start3A_11 = tpu.memref_slice %arg6[%mul3A_2] : memref<819200xi32, #tpu.memory_space<hbm>> -> memref<256xi32, #tpu.memory_space<hbm>>
    %dma_start3A_12 = tpu.memref_slice %arg6[%mul3A_2] : memref<819200xi32, #tpu.memory_space<hbm>> -> memref<256xi32, #tpu.memory_space<hbm>>
    tpu.enqueue_dma source(%dma_start3A_12 : memref<256xi32, #tpu.memory_space<hbm>>) target(%arg13 : memref<256xi32, #tpu.memory_space<vmem>>) target_semaphore(%arg24 : memref<!tpu.dma_semaphore, #tpu.memory_space<semaphore_mem>>)
    %scan3A_13 = arith.constant 0 : i32
    %scan3A_14 = arith.constant 0 : i32
    %scan3A_15 = arith.constant 50 : i32
    %scan3A_16 = arith.addi %scan3A_14, %scan3A_15 : i32
    %scan3A_17 = arith.constant 1 : i32
    scf.for %scan3A_39 = %scan3A_14 to %scan3A_16 step %scan3A_17  : i32 {
      %mul3A_40 = arith.constant 2 : i32
      %mul3A_41 = arith.muli %scan3A_39, %mul3A_40 : i32
      %add3A_42 = arith.constant 0 : i32
      %add3A_43 = arith.addi %mul3A_41, %add3A_42 : i32
      %mul3A_44 = arith.constant 256 : i32
      %mul3A_45 = arith.muli %add3A_43, %mul3A_44 : i32
      %add3A_46 = arith.addi %mul3A_2, %mul3A_45 : i32
      %dma_wait3A_47 = tpu.memref_slice %arg5[%add3A_46] : memref<819200xi32, #tpu.memory_space<hbm>> -> memref<256xi32, #tpu.memory_space<hbm>>
      %dma_wait3A_48 = tpu.memref_slice %arg5[%add3A_46] : memref<819200xi32, #tpu.memory_space<hbm>> -> memref<256xi32, #tpu.memory_space<hbm>>
      tpu.wait_dma2 semaphore(%arg24 : memref<!tpu.dma_semaphore, #tpu.memory_space<semaphore_mem>>) src(%dma_wait3A_48 : memref<256xi32, #tpu.memory_space<hbm>>) dst(%arg11 : memref<256xi32, #tpu.memory_space<vmem>>)
      %dma_wait3A_49 = tpu.memref_slice %arg6[%add3A_46] : memref<819200xi32, #tpu.memory_space<hbm>> -> memref<256xi32, #tpu.memory_space<hbm>>
      %dma_wait3A_50 = tpu.memref_slice %arg6[%add3A_46] : memref<819200xi32, #tpu.memory_space<hbm>> -> memref<256xi32, #tpu.memory_space<hbm>>
      tpu.wait_dma2 semaphore(%arg24 : memref<!tpu.dma_semaphore, #tpu.memory_space<semaphore_mem>>) src(%dma_wait3A_50 : memref<256xi32, #tpu.memory_space<hbm>>) dst(%arg13 : memref<256xi32, #tpu.memory_space<vmem>>)
      %add3A_51 = arith.constant 256 : i32
      %add3A_52 = arith.addi %add3A_46, %add3A_51 : i32
      %dma_start3A_53 = tpu.memref_slice %arg5[%add3A_52] : memref<819200xi32, #tpu.memory_space<hbm>> -> memref<256xi32, #tpu.memory_space<hbm>>
      %dma_start3A_54 = tpu.memref_slice %arg5[%add3A_52] : memref<819200xi32, #tpu.memory_space<hbm>> -> memref<256xi32, #tpu.memory_space<hbm>>
      tpu.enqueue_dma source(%dma_start3A_54 : memref<256xi32, #tpu.memory_space<hbm>>) target(%arg12 : memref<256xi32, #tpu.memory_space<vmem>>) target_semaphore(%arg25 : memref<!tpu.dma_semaphore, #tpu.memory_space<semaphore_mem>>)
      %dma_start3A_55 = tpu.memref_slice %arg6[%add3A_52] : memref<819200xi32, #tpu.memory_space<hbm>> -> memref<256xi32, #tpu.memory_space<hbm>>
      %dma_start3A_56 = tpu.memref_slice %arg6[%add3A_52] : memref<819200xi32, #tpu.memory_space<hbm>> -> memref<256xi32, #tpu.memory_space<hbm>>
      tpu.enqueue_dma source(%dma_start3A_56 : memref<256xi32, #tpu.memory_space<hbm>>) target(%arg14 : memref<256xi32, #tpu.memory_space<vmem>>) target_semaphore(%arg25 : memref<!tpu.dma_semaphore, #tpu.memory_space<semaphore_mem>>)
      %get3A = arith.constant 0 : index
      %get3A_57 = tpu.vector_load %arg11[%get3A] {strides = array<i32>} : memref<256xi32, #tpu.memory_space<vmem>>, vector<16xi32>,
      %get3A_58 = vector.shape_cast %get3A_57 : vector<16xi32> to vector<16xi32>
      %get3A_59 = arith.constant 0 : index
      %get3A_60 = tpu.vector_load %arg13[%get3A_59] {strides = array<i32>} : memref<256xi32, #tpu.memory_space<vmem>>, vector<16xi32>,
      %get3A_61 = vector.shape_cast %get3A_60 : vector<16xi32> to vector<16xi32>
      %mul3A_62 = arith.constant 7 : i32
      %mul3A_63 = vector.broadcast %mul3A_62 : i32 to vector<16xi32>
      %mul3A_64 = arith.muli %get3A_58, %mul3A_63 : vector<16xi32>
      %add3A_65 = arith.addi %mul3A_64, %get3A_61 : vector<16xi32>
      %swap3A = arith.constant 0 : i32
      %swap3A_66 = arith.index_cast %swap3A : i32 to index
      %swap3A_67 = arith.constant 0 : index
      %swap3A_68 = tpu.vector_load %arg15[%swap3A_66, %swap3A_67] {strides = array<i32>} : memref<2x128xi32, #tpu.memory_space<vmem>>, vector<1x16xi32>,
      %swap3A_69 = vector.shape_cast %swap3A_68 : vector<1x16xi32> to vector<16xi32>
      %swap3A_70 = vector.shape_cast %add3A_65 : vector<16xi32> to vector<1x16xi32>
      tpu.vector_store %arg15[%swap3A_66, %swap3A_67], %swap3A_70 {strides = array<i32>} : memref<2x128xi32, #tpu.memory_space<vmem>>, vector<1x16xi32>,
      %get3A_71 = arith.constant 16 : index
      %get3A_72 = tpu.vector_load %arg11[%get3A_71] {strides = array<i32>} : memref<256xi32, #tpu.memory_space<vmem>>, vector<16xi32>,
      %get3A_73 = vector.shape_cast %get3A_72 : vector<16xi32> to vector<16xi32>
      %get3A_74 = arith.constant 16 : index
      %get3A_75 = tpu.vector_load %arg13[%get3A_74] {strides = array<i32>} : memref<256xi32, #tpu.memory_space<vmem>>, vector<16xi32>,
      %get3A_76 = vector.shape_cast %get3A_75 : vector<16xi32> to vector<16xi32>
      %mul3A_77 = arith.constant 7 : i32
      %mul3A_78 = vector.broadcast %mul3A_77 : i32 to vector<16xi32>
      %mul3A_79 = arith.muli %get3A_73, %mul3A_78 : vector<16xi32>
      %add3A_80 = arith.addi %mul3A_79, %get3A_76 : vector<16xi32>
      %swap3A_81 = arith.constant 0 : i32
      %swap3A_82 = arith.index_cast %swap3A_81 : i32 to index
      %swap3A_83 = arith.constant 16 : index
      %swap3A_84 = tpu.vector_load %arg15[%swap3A_82, %swap3A_83] {strides = array<i32>} : memref<2x128xi32, #tpu.memory_space<vmem>>, vector<1x16xi32>,
      %swap3A_85 = vector.shape_cast %swap3A_84 : vector<1x16xi32> to vector<16xi32>
      %swap3A_86 = vector.shape_cast %add3A_80 : vector<16xi32> to vector<1x16xi32>
      tpu.vector_store %arg15[%swap3A_82, %swap3A_83], %swap3A_86 {strides = array<i32>} : memref<2x128xi32, #tpu.memory_space<vmem>>, vector<1x16xi32>,
      %get3A_87 = arith.constant 32 : index
      %get3A_88 = tpu.vector_load %arg11[%get3A_87] {strides = array<i32>} : memref<256xi32, #tpu.memory_space<vmem>>, vector<16xi32>,
      %get3A_89 = vector.shape_cast %get3A_88 : vector<16xi32> to vector<16xi32>
      %get3A_90 = arith.constant 32 : index
      %get3A_91 = tpu.vector_load %arg13[%get3A_90] {strides = array<i32>} : memref<256xi32, #tpu.memory_space<vmem>>, vector<16xi32>,
      %get3A_92 = vector.shape_cast %get3A_91 : vector<16xi32> to vector<16xi32>
      %mul3A_93 = arith.constant 7 : i32
      %mul3A_94 = vector.broadcast %mul3A_93 : i32 to vector<16xi32>
      %mul3A_95 = arith.muli %get3A_89, %mul3A_94 : vector<16xi32>
      %add3A_96 = arith.addi %mul3A_95, %get3A_92 : vector<16xi32>
      %swap3A_97 = arith.constant 0 : i32
      %swap3A_98 = arith.index_cast %swap3A_97 : i32 to index
      %swap3A_99 = arith.constant 32 : index
      %swap3A_100 = tpu.vector_load %arg15[%swap3A_98, %swap3A_99] {strides = array<i32>} : memref<2x128xi32, #tpu.memory_space<vmem>>, vector<1x16xi32>,
      %swap3A_101 = vector.shape_cast %swap3A_100 : vector<1x16xi32> to vector<16xi32>
      %swap3A_102 = vector.shape_cast %add3A_96 : vector<16xi32> to vector<1x16xi32>
      tpu.vector_store %arg15[%swap3A_98, %swap3A_99], %swap3A_102 {strides = array<i32>} : memref<2x128xi32, #tpu.memory_space<vmem>>, vector<1x16xi32>,
      %get3A_103 = arith.constant 48 : index
      %get3A_104 = tpu.vector_load %arg11[%get3A_103] {strides = array<i32>} : memref<256xi32, #tpu.memory_space<vmem>>, vector<16xi32>,
      %get3A_105 = vector.shape_cast %get3A_104 : vector<16xi32> to vector<16xi32>
      %get3A_106 = arith.constant 48 : index
      %get3A_107 = tpu.vector_load %arg13[%get3A_106] {strides = array<i32>} : memref<256xi32, #tpu.memory_space<vmem>>, vector<16xi32>,
      %get3A_108 = vector.shape_cast %get3A_107 : vector<16xi32> to vector<16xi32>
      %mul3A_109 = arith.constant 7 : i32
      %mul3A_110 = vector.broadcast %mul3A_109 : i32 to vector<16xi32>
      %mul3A_111 = arith.muli %get3A_105, %mul3A_110 : vector<16xi32>
      %add3A_112 = arith.addi %mul3A_111, %get3A_108 : vector<16xi32>
      %swap3A_113 = arith.constant 0 : i32
      %swap3A_114 = arith.index_cast %swap3A_113 : i32 to index
      %swap3A_115 = arith.constant 48 : index
      %swap3A_116 = tpu.vector_load %arg15[%swap3A_114, %swap3A_115] {strides = array<i32>} : memref<2x128xi32, #tpu.memory_space<vmem>>, vector<1x16xi32>,
      %swap3A_117 = vector.shape_cast %swap3A_116 : vector<1x16xi32> to vector<16xi32>
      %swap3A_118 = vector.shape_cast %add3A_112 : vector<16xi32> to vector<1x16xi32>
      tpu.vector_store %arg15[%swap3A_114, %swap3A_115], %swap3A_118 {strides = array<i32>} : memref<2x128xi32, #tpu.memory_space<vmem>>, vector<1x16xi32>,
      %get3A_119 = arith.constant 64 : index
      %get3A_120 = tpu.vector_load %arg11[%get3A_119] {strides = array<i32>} : memref<256xi32, #tpu.memory_space<vmem>>, vector<16xi32>,
      %get3A_121 = vector.shape_cast %get3A_120 : vector<16xi32> to vector<16xi32>
      %get3A_122 = arith.constant 64 : index
      %get3A_123 = tpu.vector_load %arg13[%get3A_122] {strides = array<i32>} : memref<256xi32, #tpu.memory_space<vmem>>, vector<16xi32>,
      %get3A_124 = vector.shape_cast %get3A_123 : vector<16xi32> to vector<16xi32>
      %mul3A_125 = arith.constant 7 : i32
      %mul3A_126 = vector.broadcast %mul3A_125 : i32 to vector<16xi32>
      %mul3A_127 = arith.muli %get3A_121, %mul3A_126 : vector<16xi32>
      %add3A_128 = arith.addi %mul3A_127, %get3A_124 : vector<16xi32>
      %swap3A_129 = arith.constant 0 : i32
      %swap3A_130 = arith.index_cast %swap3A_129 : i32 to index
      %swap3A_131 = arith.constant 64 : index
      %swap3A_132 = tpu.vector_load %arg15[%swap3A_130, %swap3A_131] {strides = array<i32>} : memref<2x128xi32, #tpu.memory_space<vmem>>, vector<1x16xi32>,
      %swap3A_133 = vector.shape_cast %swap3A_132 : vector<1x16xi32> to vector<16xi32>
      %swap3A_134 = vector.shape_cast %add3A_128 : vector<16xi32> to vector<1x16xi32>
      tpu.vector_store %arg15[%swap3A_130, %swap3A_131], %swap3A_134 {strides = array<i32>} : memref<2x128xi32, #tpu.memory_space<vmem>>, vector<1x16xi32>,
      %get3A_135 = arith.constant 80 : index
      %get3A_136 = tpu.vector_load %arg11[%get3A_135] {strides = array<i32>} : memref<256xi32, #tpu.memory_space<vmem>>, vector<16xi32>,
      %get3A_137 = vector.shape_cast %get3A_136 : vector<16xi32> to vector<16xi32>
      %get3A_138 = arith.constant 80 : index
      %get3A_139 = tpu.vector_load %arg13[%get3A_138] {strides = array<i32>} : memref<256xi32, #tpu.memory_space<vmem>>, vector<16xi32>,
      %get3A_140 = vector.shape_cast %get3A_139 : vector<16xi32> to vector<16xi32>
      %mul3A_141 = arith.constant 7 : i32
      %mul3A_142 = vector.broadcast %mul3A_141 : i32 to vector<16xi32>
      %mul3A_143 = arith.muli %get3A_137, %mul3A_142 : vector<16xi32>
      %add3A_144 = arith.addi %mul3A_143, %get3A_140 : vector<16xi32>
      %swap3A_145 = arith.constant 0 : i32
      %swap3A_146 = arith.index_cast %swap3A_145 : i32 to index
      %swap3A_147 = arith.constant 80 : index
      %swap3A_148 = tpu.vector_load %arg15[%swap3A_146, %swap3A_147] {strides = array<i32>} : memref<2x128xi32, #tpu.memory_space<vmem>>, vector<1x16xi32>,
      %swap3A_149 = vector.shape_cast %swap3A_148 : vector<1x16xi32> to vector<16xi32>
      %swap3A_150 = vector.shape_cast %add3A_144 : vector<16xi32> to vector<1x16xi32>
      tpu.vector_store %arg15[%swap3A_146, %swap3A_147], %swap3A_150 {strides = array<i32>} : memref<2x128xi32, #tpu.memory_space<vmem>>, vector<1x16xi32>,
      %get3A_151 = arith.constant 96 : index
      %get3A_152 = tpu.vector_load %arg11[%get3A_151] {strides = array<i32>} : memref<256xi32, #tpu.memory_space<vmem>>, vector<16xi32>,
      %get3A_153 = vector.shape_cast %get3A_152 : vector<16xi32> to vector<16xi32>
      %get3A_154 = arith.constant 96 : index
      %get3A_155 = tpu.vector_load %arg13[%get3A_154] {strides = array<i32>} : memref<256xi32, #tpu.memory_space<vmem>>, vector<16xi32>,
      %get3A_156 = vector.shape_cast %get3A_155 : vector<16xi32> to vector<16xi32>
      %mul3A_157 = arith.constant 7 : i32
      %mul3A_158 = vector.broadcast %mul3A_157 : i32 to vector<16xi32>
      %mul3A_159 = arith.muli %get3A_153, %mul3A_158 : vector<16xi32>
      %add3A_160 = arith.addi %mul3A_159, %get3A_156 : vector<16xi32>
      %swap3A_161 = arith.constant 0 : i32
      %swap3A_162 = arith.index_cast %swap3A_161 : i32 to index
      %swap3A_163 = arith.constant 96 : index
      %swap3A_164 = tpu.vector_load %arg15[%swap3A_162, %swap3A_163] {strides = array<i32>} : memref<2x128xi32, #tpu.memory_space<vmem>>, vector<1x16xi32>,
      %swap3A_165 = vector.shape_cast %swap3A_164 : vector<1x16xi32> to vector<16xi32>
      %swap3A_166 = vector.shape_cast %add3A_160 : vector<16xi32> to vector<1x16xi32>
      tpu.vector_store %arg15[%swap3A_162, %swap3A_163], %swap3A_166 {strides = array<i32>} : memref<2x128xi32, #tpu.memory_space<vmem>>, vector<1x16xi32>,
      %get3A_167 = arith.constant 112 : index
      %get3A_168 = tpu.vector_load %arg11[%get3A_167] {strides = array<i32>} : memref<256xi32, #tpu.memory_space<vmem>>, vector<16xi32>,
      %get3A_169 = vector.shape_cast %get3A_168 : vector<16xi32> to vector<16xi32>
      %get3A_170 = arith.constant 112 : index
      %get3A_171 = tpu.vector_load %arg13[%get3A_170] {strides = array<i32>} : memref<256xi32, #tpu.memory_space<vmem>>, vector<16xi32>,
      %get3A_172 = vector.shape_cast %get3A_171 : vector<16xi32> to vector<16xi32>
      %mul3A_173 = arith.constant 7 : i32
      %mul3A_174 = vector.broadcast %mul3A_173 : i32 to vector<16xi32>
      %mul3A_175 = arith.muli %get3A_169, %mul3A_174 : vector<16xi32>
      %add3A_176 = arith.addi %mul3A_175, %get3A_172 : vector<16xi32>
      %swap3A_177 = arith.constant 0 : i32
      %swap3A_178 = arith.index_cast %swap3A_177 : i32 to index
      %swap3A_179 = arith.constant 112 : index
      %swap3A_180 = tpu.vector_load %arg15[%swap3A_178, %swap3A_179] {strides = array<i32>} : memref<2x128xi32, #tpu.memory_space<vmem>>, vector<1x16xi32>,
      %swap3A_181 = vector.shape_cast %swap3A_180 : vector<1x16xi32> to vector<16xi32>
      %swap3A_182 = vector.shape_cast %add3A_176 : vector<16xi32> to vector<1x16xi32>
      tpu.vector_store %arg15[%swap3A_178, %swap3A_179], %swap3A_182 {strides = array<i32>} : memref<2x128xi32, #tpu.memory_space<vmem>>, vector<1x16xi32>,
      %get3A_183 = arith.constant 128 : index
      %get3A_184 = tpu.vector_load %arg11[%get3A_183] {strides = array<i32>} : memref<256xi32, #tpu.memory_space<vmem>>, vector<16xi32>,
      %get3A_185 = vector.shape_cast %get3A_184 : vector<16xi32> to vector<16xi32>
      %get3A_186 = arith.constant 128 : index
      %get3A_187 = tpu.vector_load %arg13[%get3A_186] {strides = array<i32>} : memref<256xi32, #tpu.memory_space<vmem>>, vector<16xi32>,
      %get3A_188 = vector.shape_cast %get3A_187 : vector<16xi32> to vector<16xi32>
      %mul3A_189 = arith.constant 7 : i32
      %mul3A_190 = vector.broadcast %mul3A_189 : i32 to vector<16xi32>
      %mul3A_191 = arith.muli %get3A_185, %mul3A_190 : vector<16xi32>
      %add3A_192 = arith.addi %mul3A_191, %get3A_188 : vector<16xi32>
      %swap3A_193 = arith.constant 1 : i32
      %swap3A_194 = arith.index_cast %swap3A_193 : i32 to index
      %swap3A_195 = arith.constant 0 : index
      %swap3A_196 = tpu.vector_load %arg15[%swap3A_194, %swap3A_195] {strides = array<i32>} : memref<2x128xi32, #tpu.memory_space<vmem>>, vector<1x16xi32>,
      %swap3A_197 = vector.shape_cast %swap3A_196 : vector<1x16xi32> to vector<16xi32>
      %swap3A_198 = vector.shape_cast %add3A_192 : vector<16xi32> to vector<1x16xi32>
      tpu.vector_store %arg15[%swap3A_194, %swap3A_195], %swap3A_198 {strides = array<i32>} : memref<2x128xi32, #tpu.memory_space<vmem>>, vector<1x16xi32>,
      %get3A_199 = arith.constant 144 : index
      %get3A_200 = tpu.vector_load %arg11[%get3A_199] {strides = array<i32>} : memref<256xi32, #tpu.memory_space<vmem>>, vector<16xi32>,
      %get3A_201 = vector.shape_cast %get3A_200 : vector<16xi32> to vector<16xi32>
      %get3A_202 = arith.constant 144 : index
      %get3A_203 = tpu.vector_load %arg13[%get3A_202] {strides = array<i32>} : memref<256xi32, #tpu.memory_space<vmem>>, vector<16xi32>,
      %get3A_204 = vector.shape_cast %get3A_203 : vector<16xi32> to vector<16xi32>
      %mul3A_205 = arith.constant 7 : i32
      %mul3A_206 = vector.broadcast %mul3A_205 : i32 to vector<16xi32>
      %mul3A_207 = arith.muli %get3A_201, %mul3A_206 : vector<16xi32>
      %add3A_208 = arith.addi %mul3A_207, %get3A_204 : vector<16xi32>
      %swap3A_209 = arith.constant 1 : i32
      %swap3A_210 = arith.index_cast %swap3A_209 : i32 to index
      %swap3A_211 = arith.constant 16 : index
      %swap3A_212 = tpu.vector_load %arg15[%swap3A_210, %swap3A_211] {strides = array<i32>} : memref<2x128xi32, #tpu.memory_space<vmem>>, vector<1x16xi32>,
      %swap3A_213 = vector.shape_cast %swap3A_212 : vector<1x16xi32> to vector<16xi32>
      %swap3A_214 = vector.shape_cast %add3A_208 : vector<16xi32> to vector<1x16xi32>
      tpu.vector_store %arg15[%swap3A_210, %swap3A_211], %swap3A_214 {strides = array<i32>} : memref<2x128xi32, #tpu.memory_space<vmem>>, vector<1x16xi32>,
      %get3A_215 = arith.constant 160 : index
      %get3A_216 = tpu.vector_load %arg11[%get3A_215] {strides = array<i32>} : memref<256xi32, #tpu.memory_space<vmem>>, vector<16xi32>,
      %get3A_217 = vector.shape_cast %get3A_216 : vector<16xi32> to vector<16xi32>
      %get3A_218 = arith.constant 160 : index
      %get3A_219 = tpu.vector_load %arg13[%get3A_218] {strides = array<i32>} : memref<256xi32, #tpu.memory_space<vmem>>, vector<16xi32>,
      %get3A_220 = vector.shape_cast %get3A_219 : vector<16xi32> to vector<16xi32>
      %mul3A_221 = arith.constant 7 : i32
      %mul3A_222 = vector.broadcast %mul3A_221 : i32 to vector<16xi32>
      %mul3A_223 = arith.muli %get3A_217, %mul3A_222 : vector<16xi32>
      %add3A_224 = arith.addi %mul3A_223, %get3A_220 : vector<16xi32>
      %swap3A_225 = arith.constant 1 : i32
      %swap3A_226 = arith.index_cast %swap3A_225 : i32 to index
      %swap3A_227 = arith.constant 32 : index
      %swap3A_228 = tpu.vector_load %arg15[%swap3A_226, %swap3A_227] {strides = array<i32>} : memref<2x128xi32, #tpu.memory_space<vmem>>, vector<1x16xi32>,
      %swap3A_229 = vector.shape_cast %swap3A_228 : vector<1x16xi32> to vector<16xi32>
      %swap3A_230 = vector.shape_cast %add3A_224 : vector<16xi32> to vector<1x16xi32>
      tpu.vector_store %arg15[%swap3A_226, %swap3A_227], %swap3A_230 {strides = array<i32>} : memref<2x128xi32, #tpu.memory_space<vmem>>, vector<1x16xi32>,
      %get3A_231 = arith.constant 176 : index
      %get3A_232 = tpu.vector_load %arg11[%get3A_231] {strides = array<i32>} : memref<256xi32, #tpu.memory_space<vmem>>, vector<16xi32>,
      %get3A_233 = vector.shape_cast %get3A_232 : vector<16xi32> to vector<16xi32>
      %get3A_234 = arith.constant 176 : index
      %get3A_235 = tpu.vector_load %arg13[%get3A_234] {strides = array<i32>} : memref<256xi32, #tpu.memory_space<vmem>>, vector<16xi32>,
      %get3A_236 = vector.shape_cast %get3A_235 : vector<16xi32> to vector<16xi32>
      %mul3A_237 = arith.constant 7 : i32
      %mul3A_238 = vector.broadcast %mul3A_237 : i32 to vector<16xi32>
      %mul3A_239 = arith.muli %get3A_233, %mul3A_238 : vector<16xi32>
      %add3A_240 = arith.addi %mul3A_239, %get3A_236 : vector<16xi32>
      %swap3A_241 = arith.constant 1 : i32
      %swap3A_242 = arith.index_cast %swap3A_241 : i32 to index
      %swap3A_243 = arith.constant 48 : index
      %swap3A_244 = tpu.vector_load %arg15[%swap3A_242, %swap3A_243] {strides = array<i32>} : memref<2x128xi32, #tpu.memory_space<vmem>>, vector<1x16xi32>,
      %swap3A_245 = vector.shape_cast %swap3A_244 : vector<1x16xi32> to vector<16xi32>
      %swap3A_246 = vector.shape_cast %add3A_240 : vector<16xi32> to vector<1x16xi32>
      tpu.vector_store %arg15[%swap3A_242, %swap3A_243], %swap3A_246 {strides = array<i32>} : memref<2x128xi32, #tpu.memory_space<vmem>>, vector<1x16xi32>,
      %get3A_247 = arith.constant 192 : index
      %get3A_248 = tpu.vector_load %arg11[%get3A_247] {strides = array<i32>} : memref<256xi32, #tpu.memory_space<vmem>>, vector<16xi32>,
      %get3A_249 = vector.shape_cast %get3A_248 : vector<16xi32> to vector<16xi32>
      %get3A_250 = arith.constant 192 : index
      %get3A_251 = tpu.vector_load %arg13[%get3A_250] {strides = array<i32>} : memref<256xi32, #tpu.memory_space<vmem>>, vector<16xi32>,
      %get3A_252 = vector.shape_cast %get3A_251 : vector<16xi32> to vector<16xi32>
      %mul3A_253 = arith.constant 7 : i32
      %mul3A_254 = vector.broadcast %mul3A_253 : i32 to vector<16xi32>
      %mul3A_255 = arith.muli %get3A_249, %mul3A_254 : vector<16xi32>
      %add3A_256 = arith.addi %mul3A_255, %get3A_252 : vector<16xi32>
      %swap3A_257 = arith.constant 1 : i32
      %swap3A_258 = arith.index_cast %swap3A_257 : i32 to index
      %swap3A_259 = arith.constant 64 : index
      %swap3A_260 = tpu.vector_load %arg15[%swap3A_258, %swap3A_259] {strides = array<i32>} : memref<2x128xi32, #tpu.memory_space<vmem>>, vector<1x16xi32>,
      %swap3A_261 = vector.shape_cast %swap3A_260 : vector<1x16xi32> to vector<16xi32>
      %swap3A_262 = vector.shape_cast %add3A_256 : vector<16xi32> to vector<1x16xi32>
      tpu.vector_store %arg15[%swap3A_258, %swap3A_259], %swap3A_262 {strides = array<i32>} : memref<2x128xi32, #tpu.memory_space<vmem>>, vector<1x16xi32>,
      %get3A_263 = arith.constant 208 : index
      %get3A_264 = tpu.vector_load %arg11[%get3A_263] {strides = array<i32>} : memref<256xi32, #tpu.memory_space<vmem>>, vector<16xi32>,
      %get3A_265 = vector.shape_cast %get3A_264 : vector<16xi32> to vector<16xi32>
      %get3A_266 = arith.constant 208 : index
      %get3A_267 = tpu.vector_load %arg13[%get3A_266] {strides = array<i32>} : memref<256xi32, #tpu.memory_space<vmem>>, vector<16xi32>,
      %get3A_268 = vector.shape_cast %get3A_267 : vector<16xi32> to vector<16xi32>
      %mul3A_269 = arith.constant 7 : i32
      %mul3A_270 = vector.broadcast %mul3A_269 : i32 to vector<16xi32>
      %mul3A_271 = arith.muli %get3A_265, %mul3A_270 : vector<16xi32>
      %add3A_272 = arith.addi %mul3A_271, %get3A_268 : vector<16xi32>
      %swap3A_273 = arith.constant 1 : i32
      %swap3A_274 = arith.index_cast %swap3A_273 : i32 to index
      %swap3A_275 = arith.constant 80 : index
      %swap3A_276 = tpu.vector_load %arg15[%swap3A_274, %swap3A_275] {strides = array<i32>} : memref<2x128xi32, #tpu.memory_space<vmem>>, vector<1x16xi32>,
      %swap3A_277 = vector.shape_cast %swap3A_276 : vector<1x16xi32> to vector<16xi32>
      %swap3A_278 = vector.shape_cast %add3A_272 : vector<16xi32> to vector<1x16xi32>
      tpu.vector_store %arg15[%swap3A_274, %swap3A_275], %swap3A_278 {strides = array<i32>} : memref<2x128xi32, #tpu.memory_space<vmem>>, vector<1x16xi32>,
      %get3A_279 = arith.constant 224 : index
      %get3A_280 = tpu.vector_load %arg11[%get3A_279] {strides = array<i32>} : memref<256xi32, #tpu.memory_space<vmem>>, vector<16xi32>,
      %get3A_281 = vector.shape_cast %get3A_280 : vector<16xi32> to vector<16xi32>
      %get3A_282 = arith.constant 224 : index
      %get3A_283 = tpu.vector_load %arg13[%get3A_282] {strides = array<i32>} : memref<256xi32, #tpu.memory_space<vmem>>, vector<16xi32>,
      %get3A_284 = vector.shape_cast %get3A_283 : vector<16xi32> to vector<16xi32>
      %mul3A_285 = arith.constant 7 : i32
      %mul3A_286 = vector.broadcast %mul3A_285 : i32 to vector<16xi32>
      %mul3A_287 = arith.muli %get3A_281, %mul3A_286 : vector<16xi32>
      %add3A_288 = arith.addi %mul3A_287, %get3A_284 : vector<16xi32>
      %swap3A_289 = arith.constant 1 : i32
      %swap3A_290 = arith.index_cast %swap3A_289 : i32 to index
      %swap3A_291 = arith.constant 96 : index
      %swap3A_292 = tpu.vector_load %arg15[%swap3A_290, %swap3A_291] {strides = array<i32>} : memref<2x128xi32, #tpu.memory_space<vmem>>, vector<1x16xi32>,
      %swap3A_293 = vector.shape_cast %swap3A_292 : vector<1x16xi32> to vector<16xi32>
      %swap3A_294 = vector.shape_cast %add3A_288 : vector<16xi32> to vector<1x16xi32>
      tpu.vector_store %arg15[%swap3A_290, %swap3A_291], %swap3A_294 {strides = array<i32>} : memref<2x128xi32, #tpu.memory_space<vmem>>, vector<1x16xi32>,
      %get3A_295 = arith.constant 240 : index
      %get3A_296 = tpu.vector_load %arg11[%get3A_295] {strides = array<i32>} : memref<256xi32, #tpu.memory_space<vmem>>, vector<16xi32>,
      %get3A_297 = vector.shape_cast %get3A_296 : vector<16xi32> to vector<16xi32>
      %get3A_298 = arith.constant 240 : index
      %get3A_299 = tpu.vector_load %arg13[%get3A_298] {strides = array<i32>} : memref<256xi32, #tpu.memory_space<vmem>>, vector<16xi32>,
      %get3A_300 = vector.shape_cast %get3A_299 : vector<16xi32> to vector<16xi32>
      %mul3A_301 = arith.constant 7 : i32
      %mul3A_302 = vector.broadcast %mul3A_301 : i32 to vector<16xi32>
      %mul3A_303 = arith.muli %get3A_297, %mul3A_302 : vector<16xi32>
      %add3A_304 = arith.addi %mul3A_303, %get3A_300 : vector<16xi32>
      %swap3A_305 = arith.constant 1 : i32
      %swap3A_306 = arith.index_cast %swap3A_305 : i32 to index
      %swap3A_307 = arith.constant 112 : index
      %swap3A_308 = tpu.vector_load %arg15[%swap3A_306, %swap3A_307] {strides = array<i32>} : memref<2x128xi32, #tpu.memory_space<vmem>>, vector<1x16xi32>,
      %swap3A_309 = vector.shape_cast %swap3A_308 : vector<1x16xi32> to vector<16xi32>
      %swap3A_310 = vector.shape_cast %add3A_304 : vector<16xi32> to vector<1x16xi32>
      tpu.vector_store %arg15[%swap3A_306, %swap3A_307], %swap3A_310 {strides = array<i32>} : memref<2x128xi32, #tpu.memory_space<vmem>>, vector<1x16xi32>,
      %gt3A = arith.constant 0 : i32
      %gt3A_311 = arith.cmpi sgt, %scan3A_39, %gt3A : i32
      %convert_element_type3A = arith.extui %gt3A_311 : i1 to i32
      %cond3A = arith.constant 0 : i32
      %cond3A_312 = arith.cmpi ne, %convert_element_type3A, %cond3A : i32
      scf.if %cond3A_312 {
        %dma_wait3A_652 = arith.constant 0 : i32
        %dma_wait3A_653 = tpu.memref_slice %arg7[%add3A_46, %dma_wait3A_652] : memref<819200x128xf32, #tpu.memory_space<hbm>> -> memref<256x128xf32, #tpu.memory_space<hbm>>
        %dma_wait3A_654 = arith.constant 0 : i32
        %dma_wait3A_655 = tpu.memref_slice %arg7[%add3A_46, %dma_wait3A_654] : memref<819200x128xf32, #tpu.memory_space<hbm>> -> memref<256x128xf32, #tpu.memory_space<hbm>>
        tpu.wait_dma2 semaphore(%arg22 : memref<!tpu.dma_semaphore, #tpu.memory_space<semaphore_mem>>) src(%arg17 : memref<256x128xf32, #tpu.memory_space<vmem>>) dst(%dma_wait3A_655 : memref<256x128xf32, #tpu.memory_space<hbm>>)
      } else {
      }
      %dma_start3A_313 = arith.constant 0 : i32
      %dma_start3A_314 = arith.constant 0 : i32
      %dma_start3A_315 = arith.constant 0 : i32
      %dma_start3A_316 = tpu.memref_slice %arg17[%dma_start3A_314, %dma_start3A_315] : memref<256x128xf32, #tpu.memory_space<vmem>> -> memref<128x128xf32, #tpu.memory_space<vmem>>
      %dma_start3A_317 = arith.constant 0 : i32
      %dma_start3A_318 = tpu.memref_slice %arg15[%dma_start3A_313, %dma_start3A_317] : memref<2x128xi32, #tpu.memory_space<vmem>> -> memref<1x128xi32, #tpu.memory_space<vmem>>
      %dma_start3A_319 = tpu.memref_squeeze %dma_start3A_318 : memref<1x128xi32, #tpu.memory_space<vmem>> -> memref<128xi32, #tpu.memory_space<vmem>>
      %dma_start3A_320 = arith.constant 0 : i32
      %dma_start3A_321 = arith.constant 0 : i32
      %dma_start3A_322 = tpu.memref_slice %arg19[%dma_start3A_320, %dma_start3A_321] : memref<672x128xf32, #tpu.memory_space<vmem_shared>> -> memref<672x128xf32, #tpu.memory_space<vmem_shared>>
      tpu.enqueue_indirect_dma source(%dma_start3A_322 : memref<672x128xf32, #tpu.memory_space<vmem_shared>>) target(%dma_start3A_316 : memref<128x128xf32, #tpu.memory_space<vmem>>) offsets(%dma_start3A_319 : memref<128xi32, #tpu.memory_space<vmem>>) semaphore(%arg20 : memref<!tpu.dma_semaphore, #tpu.memory_space<semaphore_mem>>)
      %dma_start3A_323 = arith.constant 1 : i32
      %dma_start3A_324 = arith.constant 128 : i32
      %dma_start3A_325 = arith.constant 0 : i32
      %dma_start3A_326 = tpu.memref_slice %arg17[%dma_start3A_324, %dma_start3A_325] : memref<256x128xf32, #tpu.memory_space<vmem>> -> memref<128x128xf32, #tpu.memory_space<vmem>>
      %dma_start3A_327 = arith.constant 0 : i32
      %dma_start3A_328 = tpu.memref_slice %arg15[%dma_start3A_323, %dma_start3A_327] : memref<2x128xi32, #tpu.memory_space<vmem>> -> memref<1x128xi32, #tpu.memory_space<vmem>>
      %dma_start3A_329 = tpu.memref_squeeze %dma_start3A_328 : memref<1x128xi32, #tpu.memory_space<vmem>> -> memref<128xi32, #tpu.memory_space<vmem>>
      %dma_start3A_330 = arith.constant 0 : i32
      %dma_start3A_331 = arith.constant 0 : i32
      %dma_start3A_332 = tpu.memref_slice %arg19[%dma_start3A_330, %dma_start3A_331] : memref<672x128xf32, #tpu.memory_space<vmem_shared>> -> memref<672x128xf32, #tpu.memory_space<vmem_shared>>
      tpu.enqueue_indirect_dma source(%dma_start3A_332 : memref<672x128xf32, #tpu.memory_space<vmem_shared>>) target(%dma_start3A_326 : memref<128x128xf32, #tpu.memory_space<vmem>>) offsets(%dma_start3A_329 : memref<128xi32, #tpu.memory_space<vmem>>) semaphore(%arg20 : memref<!tpu.dma_semaphore, #tpu.memory_space<semaphore_mem>>)
      %gt3A_333 = arith.constant 0 : i32
      %gt3A_334 = arith.cmpi sgt, %scan3A_39, %gt3A_333 : i32
      %sub3A_335 = arith.constant 256 : i32
      %sub3A_336 = arith.subi %add3A_46, %sub3A_335 : i32
      %convert_element_type3A_337 = arith.extui %gt3A_334 : i1 to i32
      %cond3A_338 = arith.constant 0 : i32
      %cond3A_339 = arith.cmpi ne, %convert_element_type3A_337, %cond3A_338 : i32
      scf.if %cond3A_339 {
        %dma_wait3A_652 = arith.constant 0 : i32
        %dma_wait3A_653 = arith.constant 0 : i32
        %dma_wait3A_654 = tpu.memref_slice %arg7[%dma_wait3A_652, %dma_wait3A_653] : memref<819200x128xf32, #tpu.memory_space<hbm>> -> memref<256x128xf32, #tpu.memory_space<hbm>>
        %dma_wait3A_655 = arith.constant 0 : i32
        %dma_wait3A_656 = arith.constant 0 : i32
        %dma_wait3A_657 = tpu.memref_slice %arg7[%dma_wait3A_655, %dma_wait3A_656] : memref<819200x128xf32, #tpu.memory_space<hbm>> -> memref<256x128xf32, #tpu.memory_space<hbm>>
        tpu.wait_dma2 semaphore(%arg21 : memref<!tpu.dma_semaphore, #tpu.memory_space<semaphore_mem>>) src(%dma_wait3A_657 : memref<256x128xf32, #tpu.memory_space<hbm>>) dst(%arg18 : memref<256x128xf32, #tpu.memory_space<vmem>>)
        %dma_start3A_658 = arith.constant 0 : i32
        %dma_start3A_659 = tpu.memref_slice %arg7[%sub3A_336, %dma_start3A_658] : memref<819200x128xf32, #tpu.memory_space<hbm>> -> memref<256x128xf32, #tpu.memory_space<hbm>>
        %dma_start3A_660 = arith.constant 0 : i32
        %dma_start3A_661 = tpu.memref_slice %arg7[%sub3A_336, %dma_start3A_660] : memref<819200x128xf32, #tpu.memory_space<hbm>> -> memref<256x128xf32, #tpu.memory_space<hbm>>
        tpu.enqueue_dma source(%arg18 : memref<256x128xf32, #tpu.memory_space<vmem>>) target(%dma_start3A_661 : memref<256x128xf32, #tpu.memory_space<hbm>>) target_semaphore(%arg23 : memref<!tpu.dma_semaphore, #tpu.memory_space<semaphore_mem>>)
      } else {
      }
      %mul3A_340 = arith.constant 2 : i32
      %mul3A_341 = arith.muli %scan3A_39, %mul3A_340 : i32
      %add3A_342 = arith.constant 1 : i32
      %add3A_343 = arith.addi %mul3A_341, %add3A_342 : i32
      %mul3A_344 = arith.constant 256 : i32
      %mul3A_345 = arith.muli %add3A_343, %mul3A_344 : i32
      %add3A_346 = arith.addi %mul3A_2, %mul3A_345 : i32
      %dma_wait3A_347 = tpu.memref_slice %arg5[%add3A_346] : memref<819200xi32, #tpu.memory_space<hbm>> -> memref<256xi32, #tpu.memory_space<hbm>>
      %dma_wait3A_348 = tpu.memref_slice %arg5[%add3A_346] : memref<819200xi32, #tpu.memory_space<hbm>> -> memref<256xi32, #tpu.memory_space<hbm>>
      tpu.wait_dma2 semaphore(%arg25 : memref<!tpu.dma_semaphore, #tpu.memory_space<semaphore_mem>>) src(%dma_wait3A_348 : memref<256xi32, #tpu.memory_space<hbm>>) dst(%arg12 : memref<256xi32, #tpu.memory_space<vmem>>)
      %dma_wait3A_349 = tpu.memref_slice %arg6[%add3A_346] : memref<819200xi32, #tpu.memory_space<hbm>> -> memref<256xi32, #tpu.memory_space<hbm>>
      %dma_wait3A_350 = tpu.memref_slice %arg6[%add3A_346] : memref<819200xi32, #tpu.memory_space<hbm>> -> memref<256xi32, #tpu.memory_space<hbm>>
      tpu.wait_dma2 semaphore(%arg25 : memref<!tpu.dma_semaphore, #tpu.memory_space<semaphore_mem>>) src(%dma_wait3A_350 : memref<256xi32, #tpu.memory_space<hbm>>) dst(%arg14 : memref<256xi32, #tpu.memory_space<vmem>>)
      %add3A_351 = arith.constant 256 : i32
      %add3A_352 = arith.addi %add3A_346, %add3A_351 : i32
      %add3A_353 = arith.constant 1 : i32
      %add3A_354 = arith.addi %scan3A_39, %add3A_353 : i32
      %lt3A = arith.constant 50 : i32
      %lt3A_355 = arith.cmpi slt, %add3A_354, %lt3A : i32
      %convert_element_type3A_356 = arith.extui %lt3A_355 : i1 to i32
      %cond3A_357 = arith.constant 0 : i32
      %cond3A_358 = arith.cmpi ne, %convert_element_type3A_356, %cond3A_357 : i32
      scf.if %cond3A_358 {
        %dma_start3A_652 = tpu.memref_slice %arg5[%add3A_352] : memref<819200xi32, #tpu.memory_space<hbm>> -> memref<256xi32, #tpu.memory_space<hbm>>
        %dma_start3A_653 = tpu.memref_slice %arg5[%add3A_352] : memref<819200xi32, #tpu.memory_space<hbm>> -> memref<256xi32, #tpu.memory_space<hbm>>
        tpu.enqueue_dma source(%dma_start3A_653 : memref<256xi32, #tpu.memory_space<hbm>>) target(%arg11 : memref<256xi32, #tpu.memory_space<vmem>>) target_semaphore(%arg24 : memref<!tpu.dma_semaphore, #tpu.memory_space<semaphore_mem>>)
        %dma_start3A_654 = tpu.memref_slice %arg6[%add3A_352] : memref<819200xi32, #tpu.memory_space<hbm>> -> memref<256xi32, #tpu.memory_space<hbm>>
        %dma_start3A_655 = tpu.memref_slice %arg6[%add3A_352] : memref<819200xi32, #tpu.memory_space<hbm>> -> memref<256xi32, #tpu.memory_space<hbm>>
        tpu.enqueue_dma source(%dma_start3A_655 : memref<256xi32, #tpu.memory_space<hbm>>) target(%arg13 : memref<256xi32, #tpu.memory_space<vmem>>) target_semaphore(%arg24 : memref<!tpu.dma_semaphore, #tpu.memory_space<semaphore_mem>>)
      } else {
      }
      %get3A_359 = arith.constant 0 : index
      %get3A_360 = tpu.vector_load %arg12[%get3A_359] {strides = array<i32>} : memref<256xi32, #tpu.memory_space<vmem>>, vector<16xi32>,
      %get3A_361 = vector.shape_cast %get3A_360 : vector<16xi32> to vector<16xi32>
      %get3A_362 = arith.constant 0 : index
      %get3A_363 = tpu.vector_load %arg14[%get3A_362] {strides = array<i32>} : memref<256xi32, #tpu.memory_space<vmem>>, vector<16xi32>,
      %get3A_364 = vector.shape_cast %get3A_363 : vector<16xi32> to vector<16xi32>
      %mul3A_365 = arith.constant 7 : i32
      %mul3A_366 = vector.broadcast %mul3A_365 : i32 to vector<16xi32>
      %mul3A_367 = arith.muli %get3A_361, %mul3A_366 : vector<16xi32>
      %add3A_368 = arith.addi %mul3A_367, %get3A_364 : vector<16xi32>
      %swap3A_369 = arith.constant 0 : i32
      %swap3A_370 = arith.index_cast %swap3A_369 : i32 to index
      %swap3A_371 = arith.constant 0 : index
      %swap3A_372 = tpu.vector_load %arg16[%swap3A_370, %swap3A_371] {strides = array<i32>} : memref<2x128xi32, #tpu.memory_space<vmem>>, vector<1x16xi32>,
      %swap3A_373 = vector.shape_cast %swap3A_372 : vector<1x16xi32> to vector<16xi32>
      %swap3A_374 = vector.shape_cast %add3A_368 : vector<16xi32> to vector<1x16xi32>
      tpu.vector_store %arg16[%swap3A_370, %swap3A_371], %swap3A_374 {strides = array<i32>} : memref<2x128xi32, #tpu.memory_space<vmem>>, vector<1x16xi32>,
      %get3A_375 = arith.constant 16 : index
      %get3A_376 = tpu.vector_load %arg12[%get3A_375] {strides = array<i32>} : memref<256xi32, #tpu.memory_space<vmem>>, vector<16xi32>,
      %get3A_377 = vector.shape_cast %get3A_376 : vector<16xi32> to vector<16xi32>
      %get3A_378 = arith.constant 16 : index
      %get3A_379 = tpu.vector_load %arg14[%get3A_378] {strides = array<i32>} : memref<256xi32, #tpu.memory_space<vmem>>, vector<16xi32>,
      %get3A_380 = vector.shape_cast %get3A_379 : vector<16xi32> to vector<16xi32>
      %mul3A_381 = arith.constant 7 : i32
      %mul3A_382 = vector.broadcast %mul3A_381 : i32 to vector<16xi32>
      %mul3A_383 = arith.muli %get3A_377, %mul3A_382 : vector<16xi32>
      %add3A_384 = arith.addi %mul3A_383, %get3A_380 : vector<16xi32>
      %swap3A_385 = arith.constant 0 : i32
      %swap3A_386 = arith.index_cast %swap3A_385 : i32 to index
      %swap3A_387 = arith.constant 16 : index
      %swap3A_388 = tpu.vector_load %arg16[%swap3A_386, %swap3A_387] {strides = array<i32>} : memref<2x128xi32, #tpu.memory_space<vmem>>, vector<1x16xi32>,
      %swap3A_389 = vector.shape_cast %swap3A_388 : vector<1x16xi32> to vector<16xi32>
      %swap3A_390 = vector.shape_cast %add3A_384 : vector<16xi32> to vector<1x16xi32>
      tpu.vector_store %arg16[%swap3A_386, %swap3A_387], %swap3A_390 {strides = array<i32>} : memref<2x128xi32, #tpu.memory_space<vmem>>, vector<1x16xi32>,
      %get3A_391 = arith.constant 32 : index
      %get3A_392 = tpu.vector_load %arg12[%get3A_391] {strides = array<i32>} : memref<256xi32, #tpu.memory_space<vmem>>, vector<16xi32>,
      %get3A_393 = vector.shape_cast %get3A_392 : vector<16xi32> to vector<16xi32>
      %get3A_394 = arith.constant 32 : index
      %get3A_395 = tpu.vector_load %arg14[%get3A_394] {strides = array<i32>} : memref<256xi32, #tpu.memory_space<vmem>>, vector<16xi32>,
      %get3A_396 = vector.shape_cast %get3A_395 : vector<16xi32> to vector<16xi32>
      %mul3A_397 = arith.constant 7 : i32
      %mul3A_398 = vector.broadcast %mul3A_397 : i32 to vector<16xi32>
      %mul3A_399 = arith.muli %get3A_393, %mul3A_398 : vector<16xi32>
      %add3A_400 = arith.addi %mul3A_399, %get3A_396 : vector<16xi32>
      %swap3A_401 = arith.constant 0 : i32
      %swap3A_402 = arith.index_cast %swap3A_401 : i32 to index
      %swap3A_403 = arith.constant 32 : index
      %swap3A_404 = tpu.vector_load %arg16[%swap3A_402, %swap3A_403] {strides = array<i32>} : memref<2x128xi32, #tpu.memory_space<vmem>>, vector<1x16xi32>,
      %swap3A_405 = vector.shape_cast %swap3A_404 : vector<1x16xi32> to vector<16xi32>
      %swap3A_406 = vector.shape_cast %add3A_400 : vector<16xi32> to vector<1x16xi32>
      tpu.vector_store %arg16[%swap3A_402, %swap3A_403], %swap3A_406 {strides = array<i32>} : memref<2x128xi32, #tpu.memory_space<vmem>>, vector<1x16xi32>,
      %get3A_407 = arith.constant 48 : index
      %get3A_408 = tpu.vector_load %arg12[%get3A_407] {strides = array<i32>} : memref<256xi32, #tpu.memory_space<vmem>>, vector<16xi32>,
      %get3A_409 = vector.shape_cast %get3A_408 : vector<16xi32> to vector<16xi32>
      %get3A_410 = arith.constant 48 : index
      %get3A_411 = tpu.vector_load %arg14[%get3A_410] {strides = array<i32>} : memref<256xi32, #tpu.memory_space<vmem>>, vector<16xi32>,
      %get3A_412 = vector.shape_cast %get3A_411 : vector<16xi32> to vector<16xi32>
      %mul3A_413 = arith.constant 7 : i32
      %mul3A_414 = vector.broadcast %mul3A_413 : i32 to vector<16xi32>
      %mul3A_415 = arith.muli %get3A_409, %mul3A_414 : vector<16xi32>
      %add3A_416 = arith.addi %mul3A_415, %get3A_412 : vector<16xi32>
      %swap3A_417 = arith.constant 0 : i32
      %swap3A_418 = arith.index_cast %swap3A_417 : i32 to index
      %swap3A_419 = arith.constant 48 : index
      %swap3A_420 = tpu.vector_load %arg16[%swap3A_418, %swap3A_419] {strides = array<i32>} : memref<2x128xi32, #tpu.memory_space<vmem>>, vector<1x16xi32>,
      %swap3A_421 = vector.shape_cast %swap3A_420 : vector<1x16xi32> to vector<16xi32>
      %swap3A_422 = vector.shape_cast %add3A_416 : vector<16xi32> to vector<1x16xi32>
      tpu.vector_store %arg16[%swap3A_418, %swap3A_419], %swap3A_422 {strides = array<i32>} : memref<2x128xi32, #tpu.memory_space<vmem>>, vector<1x16xi32>,
      %get3A_423 = arith.constant 64 : index
      %get3A_424 = tpu.vector_load %arg12[%get3A_423] {strides = array<i32>} : memref<256xi32, #tpu.memory_space<vmem>>, vector<16xi32>,
      %get3A_425 = vector.shape_cast %get3A_424 : vector<16xi32> to vector<16xi32>
      %get3A_426 = arith.constant 64 : index
      %get3A_427 = tpu.vector_load %arg14[%get3A_426] {strides = array<i32>} : memref<256xi32, #tpu.memory_space<vmem>>, vector<16xi32>,
      %get3A_428 = vector.shape_cast %get3A_427 : vector<16xi32> to vector<16xi32>
      %mul3A_429 = arith.constant 7 : i32
      %mul3A_430 = vector.broadcast %mul3A_429 : i32 to vector<16xi32>
      %mul3A_431 = arith.muli %get3A_425, %mul3A_430 : vector<16xi32>
      %add3A_432 = arith.addi %mul3A_431, %get3A_428 : vector<16xi32>
      %swap3A_433 = arith.constant 0 : i32
      %swap3A_434 = arith.index_cast %swap3A_433 : i32 to index
      %swap3A_435 = arith.constant 64 : index
      %swap3A_436 = tpu.vector_load %arg16[%swap3A_434, %swap3A_435] {strides = array<i32>} : memref<2x128xi32, #tpu.memory_space<vmem>>, vector<1x16xi32>,
      %swap3A_437 = vector.shape_cast %swap3A_436 : vector<1x16xi32> to vector<16xi32>
      %swap3A_438 = vector.shape_cast %add3A_432 : vector<16xi32> to vector<1x16xi32>
      tpu.vector_store %arg16[%swap3A_434, %swap3A_435], %swap3A_438 {strides = array<i32>} : memref<2x128xi32, #tpu.memory_space<vmem>>, vector<1x16xi32>,
      %get3A_439 = arith.constant 80 : index
      %get3A_440 = tpu.vector_load %arg12[%get3A_439] {strides = array<i32>} : memref<256xi32, #tpu.memory_space<vmem>>, vector<16xi32>,
      %get3A_441 = vector.shape_cast %get3A_440 : vector<16xi32> to vector<16xi32>
      %get3A_442 = arith.constant 80 : index
      %get3A_443 = tpu.vector_load %arg14[%get3A_442] {strides = array<i32>} : memref<256xi32, #tpu.memory_space<vmem>>, vector<16xi32>,
      %get3A_444 = vector.shape_cast %get3A_443 : vector<16xi32> to vector<16xi32>
      %mul3A_445 = arith.constant 7 : i32
      %mul3A_446 = vector.broadcast %mul3A_445 : i32 to vector<16xi32>
      %mul3A_447 = arith.muli %get3A_441, %mul3A_446 : vector<16xi32>
      %add3A_448 = arith.addi %mul3A_447, %get3A_444 : vector<16xi32>
      %swap3A_449 = arith.constant 0 : i32
      %swap3A_450 = arith.index_cast %swap3A_449 : i32 to index
      %swap3A_451 = arith.constant 80 : index
      %swap3A_452 = tpu.vector_load %arg16[%swap3A_450, %swap3A_451] {strides = array<i32>} : memref<2x128xi32, #tpu.memory_space<vmem>>, vector<1x16xi32>,
      %swap3A_453 = vector.shape_cast %swap3A_452 : vector<1x16xi32> to vector<16xi32>
      %swap3A_454 = vector.shape_cast %add3A_448 : vector<16xi32> to vector<1x16xi32>
      tpu.vector_store %arg16[%swap3A_450, %swap3A_451], %swap3A_454 {strides = array<i32>} : memref<2x128xi32, #tpu.memory_space<vmem>>, vector<1x16xi32>,
      %get3A_455 = arith.constant 96 : index
      %get3A_456 = tpu.vector_load %arg12[%get3A_455] {strides = array<i32>} : memref<256xi32, #tpu.memory_space<vmem>>, vector<16xi32>,
      %get3A_457 = vector.shape_cast %get3A_456 : vector<16xi32> to vector<16xi32>
      %get3A_458 = arith.constant 96 : index
      %get3A_459 = tpu.vector_load %arg14[%get3A_458] {strides = array<i32>} : memref<256xi32, #tpu.memory_space<vmem>>, vector<16xi32>,
      %get3A_460 = vector.shape_cast %get3A_459 : vector<16xi32> to vector<16xi32>
      %mul3A_461 = arith.constant 7 : i32
      %mul3A_462 = vector.broadcast %mul3A_461 : i32 to vector<16xi32>
      %mul3A_463 = arith.muli %get3A_457, %mul3A_462 : vector<16xi32>
      %add3A_464 = arith.addi %mul3A_463, %get3A_460 : vector<16xi32>
      %swap3A_465 = arith.constant 0 : i32
      %swap3A_466 = arith.index_cast %swap3A_465 : i32 to index
      %swap3A_467 = arith.constant 96 : index
      %swap3A_468 = tpu.vector_load %arg16[%swap3A_466, %swap3A_467] {strides = array<i32>} : memref<2x128xi32, #tpu.memory_space<vmem>>, vector<1x16xi32>,
      %swap3A_469 = vector.shape_cast %swap3A_468 : vector<1x16xi32> to vector<16xi32>
      %swap3A_470 = vector.shape_cast %add3A_464 : vector<16xi32> to vector<1x16xi32>
      tpu.vector_store %arg16[%swap3A_466, %swap3A_467], %swap3A_470 {strides = array<i32>} : memref<2x128xi32, #tpu.memory_space<vmem>>, vector<1x16xi32>,
      %get3A_471 = arith.constant 112 : index
      %get3A_472 = tpu.vector_load %arg12[%get3A_471] {strides = array<i32>} : memref<256xi32, #tpu.memory_space<vmem>>, vector<16xi32>,
      %get3A_473 = vector.shape_cast %get3A_472 : vector<16xi32> to vector<16xi32>
      %get3A_474 = arith.constant 112 : index
      %get3A_475 = tpu.vector_load %arg14[%get3A_474] {strides = array<i32>} : memref<256xi32, #tpu.memory_space<vmem>>, vector<16xi32>,
      %get3A_476 = vector.shape_cast %get3A_475 : vector<16xi32> to vector<16xi32>
      %mul3A_477 = arith.constant 7 : i32
      %mul3A_478 = vector.broadcast %mul3A_477 : i32 to vector<16xi32>
      %mul3A_479 = arith.muli %get3A_473, %mul3A_478 : vector<16xi32>
      %add3A_480 = arith.addi %mul3A_479, %get3A_476 : vector<16xi32>
      %swap3A_481 = arith.constant 0 : i32
      %swap3A_482 = arith.index_cast %swap3A_481 : i32 to index
      %swap3A_483 = arith.constant 112 : index
      %swap3A_484 = tpu.vector_load %arg16[%swap3A_482, %swap3A_483] {strides = array<i32>} : memref<2x128xi32, #tpu.memory_space<vmem>>, vector<1x16xi32>,
      %swap3A_485 = vector.shape_cast %swap3A_484 : vector<1x16xi32> to vector<16xi32>
      %swap3A_486 = vector.shape_cast %add3A_480 : vector<16xi32> to vector<1x16xi32>
      tpu.vector_store %arg16[%swap3A_482, %swap3A_483], %swap3A_486 {strides = array<i32>} : memref<2x128xi32, #tpu.memory_space<vmem>>, vector<1x16xi32>,
      %get3A_487 = arith.constant 128 : index
      %get3A_488 = tpu.vector_load %arg12[%get3A_487] {strides = array<i32>} : memref<256xi32, #tpu.memory_space<vmem>>, vector<16xi32>,
      %get3A_489 = vector.shape_cast %get3A_488 : vector<16xi32> to vector<16xi32>
      %get3A_490 = arith.constant 128 : index
      %get3A_491 = tpu.vector_load %arg14[%get3A_490] {strides = array<i32>} : memref<256xi32, #tpu.memory_space<vmem>>, vector<16xi32>,
      %get3A_492 = vector.shape_cast %get3A_491 : vector<16xi32> to vector<16xi32>
      %mul3A_493 = arith.constant 7 : i32
      %mul3A_494 = vector.broadcast %mul3A_493 : i32 to vector<16xi32>
      %mul3A_495 = arith.muli %get3A_489, %mul3A_494 : vector<16xi32>
      %add3A_496 = arith.addi %mul3A_495, %get3A_492 : vector<16xi32>
      %swap3A_497 = arith.constant 1 : i32
      %swap3A_498 = arith.index_cast %swap3A_497 : i32 to index
      %swap3A_499 = arith.constant 0 : index
      %swap3A_500 = tpu.vector_load %arg16[%swap3A_498, %swap3A_499] {strides = array<i32>} : memref<2x128xi32, #tpu.memory_space<vmem>>, vector<1x16xi32>,
      %swap3A_501 = vector.shape_cast %swap3A_500 : vector<1x16xi32> to vector<16xi32>
      %swap3A_502 = vector.shape_cast %add3A_496 : vector<16xi32> to vector<1x16xi32>
      tpu.vector_store %arg16[%swap3A_498, %swap3A_499], %swap3A_502 {strides = array<i32>} : memref<2x128xi32, #tpu.memory_space<vmem>>, vector<1x16xi32>,
      %get3A_503 = arith.constant 144 : index
      %get3A_504 = tpu.vector_load %arg12[%get3A_503] {strides = array<i32>} : memref<256xi32, #tpu.memory_space<vmem>>, vector<16xi32>,
      %get3A_505 = vector.shape_cast %get3A_504 : vector<16xi32> to vector<16xi32>
      %get3A_506 = arith.constant 144 : index
      %get3A_507 = tpu.vector_load %arg14[%get3A_506] {strides = array<i32>} : memref<256xi32, #tpu.memory_space<vmem>>, vector<16xi32>,
      %get3A_508 = vector.shape_cast %get3A_507 : vector<16xi32> to vector<16xi32>
      %mul3A_509 = arith.constant 7 : i32
      %mul3A_510 = vector.broadcast %mul3A_509 : i32 to vector<16xi32>
      %mul3A_511 = arith.muli %get3A_505, %mul3A_510 : vector<16xi32>
      %add3A_512 = arith.addi %mul3A_511, %get3A_508 : vector<16xi32>
      %swap3A_513 = arith.constant 1 : i32
      %swap3A_514 = arith.index_cast %swap3A_513 : i32 to index
      %swap3A_515 = arith.constant 16 : index
      %swap3A_516 = tpu.vector_load %arg16[%swap3A_514, %swap3A_515] {strides = array<i32>} : memref<2x128xi32, #tpu.memory_space<vmem>>, vector<1x16xi32>,
      %swap3A_517 = vector.shape_cast %swap3A_516 : vector<1x16xi32> to vector<16xi32>
      %swap3A_518 = vector.shape_cast %add3A_512 : vector<16xi32> to vector<1x16xi32>
      tpu.vector_store %arg16[%swap3A_514, %swap3A_515], %swap3A_518 {strides = array<i32>} : memref<2x128xi32, #tpu.memory_space<vmem>>, vector<1x16xi32>,
      %get3A_519 = arith.constant 160 : index
      %get3A_520 = tpu.vector_load %arg12[%get3A_519] {strides = array<i32>} : memref<256xi32, #tpu.memory_space<vmem>>, vector<16xi32>,
      %get3A_521 = vector.shape_cast %get3A_520 : vector<16xi32> to vector<16xi32>
      %get3A_522 = arith.constant 160 : index
      %get3A_523 = tpu.vector_load %arg14[%get3A_522] {strides = array<i32>} : memref<256xi32, #tpu.memory_space<vmem>>, vector<16xi32>,
      %get3A_524 = vector.shape_cast %get3A_523 : vector<16xi32> to vector<16xi32>
      %mul3A_525 = arith.constant 7 : i32
      %mul3A_526 = vector.broadcast %mul3A_525 : i32 to vector<16xi32>
      %mul3A_527 = arith.muli %get3A_521, %mul3A_526 : vector<16xi32>
      %add3A_528 = arith.addi %mul3A_527, %get3A_524 : vector<16xi32>
      %swap3A_529 = arith.constant 1 : i32
      %swap3A_530 = arith.index_cast %swap3A_529 : i32 to index
      %swap3A_531 = arith.constant 32 : index
      %swap3A_532 = tpu.vector_load %arg16[%swap3A_530, %swap3A_531] {strides = array<i32>} : memref<2x128xi32, #tpu.memory_space<vmem>>, vector<1x16xi32>,
      %swap3A_533 = vector.shape_cast %swap3A_532 : vector<1x16xi32> to vector<16xi32>
      %swap3A_534 = vector.shape_cast %add3A_528 : vector<16xi32> to vector<1x16xi32>
      tpu.vector_store %arg16[%swap3A_530, %swap3A_531], %swap3A_534 {strides = array<i32>} : memref<2x128xi32, #tpu.memory_space<vmem>>, vector<1x16xi32>,
      %get3A_535 = arith.constant 176 : index
      %get3A_536 = tpu.vector_load %arg12[%get3A_535] {strides = array<i32>} : memref<256xi32, #tpu.memory_space<vmem>>, vector<16xi32>,
      %get3A_537 = vector.shape_cast %get3A_536 : vector<16xi32> to vector<16xi32>
      %get3A_538 = arith.constant 176 : index
      %get3A_539 = tpu.vector_load %arg14[%get3A_538] {strides = array<i32>} : memref<256xi32, #tpu.memory_space<vmem>>, vector<16xi32>,
      %get3A_540 = vector.shape_cast %get3A_539 : vector<16xi32> to vector<16xi32>
      %mul3A_541 = arith.constant 7 : i32
      %mul3A_542 = vector.broadcast %mul3A_541 : i32 to vector<16xi32>
      %mul3A_543 = arith.muli %get3A_537, %mul3A_542 : vector<16xi32>
      %add3A_544 = arith.addi %mul3A_543, %get3A_540 : vector<16xi32>
      %swap3A_545 = arith.constant 1 : i32
      %swap3A_546 = arith.index_cast %swap3A_545 : i32 to index
      %swap3A_547 = arith.constant 48 : index
      %swap3A_548 = tpu.vector_load %arg16[%swap3A_546, %swap3A_547] {strides = array<i32>} : memref<2x128xi32, #tpu.memory_space<vmem>>, vector<1x16xi32>,
      %swap3A_549 = vector.shape_cast %swap3A_548 : vector<1x16xi32> to vector<16xi32>
      %swap3A_550 = vector.shape_cast %add3A_544 : vector<16xi32> to vector<1x16xi32>
      tpu.vector_store %arg16[%swap3A_546, %swap3A_547], %swap3A_550 {strides = array<i32>} : memref<2x128xi32, #tpu.memory_space<vmem>>, vector<1x16xi32>,
      %get3A_551 = arith.constant 192 : index
      %get3A_552 = tpu.vector_load %arg12[%get3A_551] {strides = array<i32>} : memref<256xi32, #tpu.memory_space<vmem>>, vector<16xi32>,
      %get3A_553 = vector.shape_cast %get3A_552 : vector<16xi32> to vector<16xi32>
      %get3A_554 = arith.constant 192 : index
      %get3A_555 = tpu.vector_load %arg14[%get3A_554] {strides = array<i32>} : memref<256xi32, #tpu.memory_space<vmem>>, vector<16xi32>,
      %get3A_556 = vector.shape_cast %get3A_555 : vector<16xi32> to vector<16xi32>
      %mul3A_557 = arith.constant 7 : i32
      %mul3A_558 = vector.broadcast %mul3A_557 : i32 to vector<16xi32>
      %mul3A_559 = arith.muli %get3A_553, %mul3A_558 : vector<16xi32>
      %add3A_560 = arith.addi %mul3A_559, %get3A_556 : vector<16xi32>
      %swap3A_561 = arith.constant 1 : i32
      %swap3A_562 = arith.index_cast %swap3A_561 : i32 to index
      %swap3A_563 = arith.constant 64 : index
      %swap3A_564 = tpu.vector_load %arg16[%swap3A_562, %swap3A_563] {strides = array<i32>} : memref<2x128xi32, #tpu.memory_space<vmem>>, vector<1x16xi32>,
      %swap3A_565 = vector.shape_cast %swap3A_564 : vector<1x16xi32> to vector<16xi32>
      %swap3A_566 = vector.shape_cast %add3A_560 : vector<16xi32> to vector<1x16xi32>
      tpu.vector_store %arg16[%swap3A_562, %swap3A_563], %swap3A_566 {strides = array<i32>} : memref<2x128xi32, #tpu.memory_space<vmem>>, vector<1x16xi32>,
      %get3A_567 = arith.constant 208 : index
      %get3A_568 = tpu.vector_load %arg12[%get3A_567] {strides = array<i32>} : memref<256xi32, #tpu.memory_space<vmem>>, vector<16xi32>,
      %get3A_569 = vector.shape_cast %get3A_568 : vector<16xi32> to vector<16xi32>
      %get3A_570 = arith.constant 208 : index
      %get3A_571 = tpu.vector_load %arg14[%get3A_570] {strides = array<i32>} : memref<256xi32, #tpu.memory_space<vmem>>, vector<16xi32>,
      %get3A_572 = vector.shape_cast %get3A_571 : vector<16xi32> to vector<16xi32>
      %mul3A_573 = arith.constant 7 : i32
      %mul3A_574 = vector.broadcast %mul3A_573 : i32 to vector<16xi32>
      %mul3A_575 = arith.muli %get3A_569, %mul3A_574 : vector<16xi32>
      %add3A_576 = arith.addi %mul3A_575, %get3A_572 : vector<16xi32>
      %swap3A_577 = arith.constant 1 : i32
      %swap3A_578 = arith.index_cast %swap3A_577 : i32 to index
      %swap3A_579 = arith.constant 80 : index
      %swap3A_580 = tpu.vector_load %arg16[%swap3A_578, %swap3A_579] {strides = array<i32>} : memref<2x128xi32, #tpu.memory_space<vmem>>, vector<1x16xi32>,
      %swap3A_581 = vector.shape_cast %swap3A_580 : vector<1x16xi32> to vector<16xi32>
      %swap3A_582 = vector.shape_cast %add3A_576 : vector<16xi32> to vector<1x16xi32>
      tpu.vector_store %arg16[%swap3A_578, %swap3A_579], %swap3A_582 {strides = array<i32>} : memref<2x128xi32, #tpu.memory_space<vmem>>, vector<1x16xi32>,
      %get3A_583 = arith.constant 224 : index
      %get3A_584 = tpu.vector_load %arg12[%get3A_583] {strides = array<i32>} : memref<256xi32, #tpu.memory_space<vmem>>, vector<16xi32>,
      %get3A_585 = vector.shape_cast %get3A_584 : vector<16xi32> to vector<16xi32>
      %get3A_586 = arith.constant 224 : index
      %get3A_587 = tpu.vector_load %arg14[%get3A_586] {strides = array<i32>} : memref<256xi32, #tpu.memory_space<vmem>>, vector<16xi32>,
      %get3A_588 = vector.shape_cast %get3A_587 : vector<16xi32> to vector<16xi32>
      %mul3A_589 = arith.constant 7 : i32
      %mul3A_590 = vector.broadcast %mul3A_589 : i32 to vector<16xi32>
      %mul3A_591 = arith.muli %get3A_585, %mul3A_590 : vector<16xi32>
      %add3A_592 = arith.addi %mul3A_591, %get3A_588 : vector<16xi32>
      %swap3A_593 = arith.constant 1 : i32
      %swap3A_594 = arith.index_cast %swap3A_593 : i32 to index
      %swap3A_595 = arith.constant 96 : index
      %swap3A_596 = tpu.vector_load %arg16[%swap3A_594, %swap3A_595] {strides = array<i32>} : memref<2x128xi32, #tpu.memory_space<vmem>>, vector<1x16xi32>,
      %swap3A_597 = vector.shape_cast %swap3A_596 : vector<1x16xi32> to vector<16xi32>
      %swap3A_598 = vector.shape_cast %add3A_592 : vector<16xi32> to vector<1x16xi32>
      tpu.vector_store %arg16[%swap3A_594, %swap3A_595], %swap3A_598 {strides = array<i32>} : memref<2x128xi32, #tpu.memory_space<vmem>>, vector<1x16xi32>,
      %get3A_599 = arith.constant 240 : index
      %get3A_600 = tpu.vector_load %arg12[%get3A_599] {strides = array<i32>} : memref<256xi32, #tpu.memory_space<vmem>>, vector<16xi32>,
      %get3A_601 = vector.shape_cast %get3A_600 : vector<16xi32> to vector<16xi32>
      %get3A_602 = arith.constant 240 : index
      %get3A_603 = tpu.vector_load %arg14[%get3A_602] {strides = array<i32>} : memref<256xi32, #tpu.memory_space<vmem>>, vector<16xi32>,
      %get3A_604 = vector.shape_cast %get3A_603 : vector<16xi32> to vector<16xi32>
      %mul3A_605 = arith.constant 7 : i32
      %mul3A_606 = vector.broadcast %mul3A_605 : i32 to vector<16xi32>
      %mul3A_607 = arith.muli %get3A_601, %mul3A_606 : vector<16xi32>
      %add3A_608 = arith.addi %mul3A_607, %get3A_604 : vector<16xi32>
      %swap3A_609 = arith.constant 1 : i32
      %swap3A_610 = arith.index_cast %swap3A_609 : i32 to index
      %swap3A_611 = arith.constant 112 : index
      %swap3A_612 = tpu.vector_load %arg16[%swap3A_610, %swap3A_611] {strides = array<i32>} : memref<2x128xi32, #tpu.memory_space<vmem>>, vector<1x16xi32>,
      %swap3A_613 = vector.shape_cast %swap3A_612 : vector<1x16xi32> to vector<16xi32>
      %swap3A_614 = vector.shape_cast %add3A_608 : vector<16xi32> to vector<1x16xi32>
      tpu.vector_store %arg16[%swap3A_610, %swap3A_611], %swap3A_614 {strides = array<i32>} : memref<2x128xi32, #tpu.memory_space<vmem>>, vector<1x16xi32>,
      %gt3A_615 = arith.constant 0 : i32
      %gt3A_616 = arith.cmpi sgt, %scan3A_39, %gt3A_615 : i32
      %convert_element_type3A_617 = arith.extui %gt3A_616 : i1 to i32
      %cond3A_618 = arith.constant 0 : i32
      %cond3A_619 = arith.cmpi ne, %convert_element_type3A_617, %cond3A_618 : i32
      scf.if %cond3A_619 {
        %dma_wait3A_652 = arith.constant 0 : i32
        %dma_wait3A_653 = tpu.memref_slice %arg7[%add3A_346, %dma_wait3A_652] : memref<819200x128xf32, #tpu.memory_space<hbm>> -> memref<256x128xf32, #tpu.memory_space<hbm>>
        %dma_wait3A_654 = arith.constant 0 : i32
        %dma_wait3A_655 = tpu.memref_slice %arg7[%add3A_346, %dma_wait3A_654] : memref<819200x128xf32, #tpu.memory_space<hbm>> -> memref<256x128xf32, #tpu.memory_space<hbm>>
        tpu.wait_dma2 semaphore(%arg23 : memref<!tpu.dma_semaphore, #tpu.memory_space<semaphore_mem>>) src(%arg18 : memref<256x128xf32, #tpu.memory_space<vmem>>) dst(%dma_wait3A_655 : memref<256x128xf32, #tpu.memory_space<hbm>>)
      } else {
      }
      %dma_start3A_620 = arith.constant 0 : i32
      %dma_start3A_621 = arith.constant 0 : i32
      %dma_start3A_622 = arith.constant 0 : i32
      %dma_start3A_623 = tpu.memref_slice %arg18[%dma_start3A_621, %dma_start3A_622] : memref<256x128xf32, #tpu.memory_space<vmem>> -> memref<128x128xf32, #tpu.memory_space<vmem>>
      %dma_start3A_624 = arith.constant 0 : i32
      %dma_start3A_625 = tpu.memref_slice %arg16[%dma_start3A_620, %dma_start3A_624] : memref<2x128xi32, #tpu.memory_space<vmem>> -> memref<1x128xi32, #tpu.memory_space<vmem>>
      %dma_start3A_626 = tpu.memref_squeeze %dma_start3A_625 : memref<1x128xi32, #tpu.memory_space<vmem>> -> memref<128xi32, #tpu.memory_space<vmem>>
      %dma_start3A_627 = arith.constant 0 : i32
      %dma_start3A_628 = arith.constant 0 : i32
      %dma_start3A_629 = tpu.memref_slice %arg19[%dma_start3A_627, %dma_start3A_628] : memref<672x128xf32, #tpu.memory_space<vmem_shared>> -> memref<672x128xf32, #tpu.memory_space<vmem_shared>>
      tpu.enqueue_indirect_dma source(%dma_start3A_629 : memref<672x128xf32, #tpu.memory_space<vmem_shared>>) target(%dma_start3A_623 : memref<128x128xf32, #tpu.memory_space<vmem>>) offsets(%dma_start3A_626 : memref<128xi32, #tpu.memory_space<vmem>>) semaphore(%arg21 : memref<!tpu.dma_semaphore, #tpu.memory_space<semaphore_mem>>)
      %dma_start3A_630 = arith.constant 1 : i32
      %dma_start3A_631 = arith.constant 128 : i32
      %dma_start3A_632 = arith.constant 0 : i32
      %dma_start3A_633 = tpu.memref_slice %arg18[%dma_start3A_631, %dma_start3A_632] : memref<256x128xf32, #tpu.memory_space<vmem>> -> memref<128x128xf32, #tpu.memory_space<vmem>>
      %dma_start3A_634 = arith.constant 0 : i32
      %dma_start3A_635 = tpu.memref_slice %arg16[%dma_start3A_630, %dma_start3A_634] : memref<2x128xi32, #tpu.memory_space<vmem>> -> memref<1x128xi32, #tpu.memory_space<vmem>>
      %dma_start3A_636 = tpu.memref_squeeze %dma_start3A_635 : memref<1x128xi32, #tpu.memory_space<vmem>> -> memref<128xi32, #tpu.memory_space<vmem>>
      %dma_start3A_637 = arith.constant 0 : i32
      %dma_start3A_638 = arith.constant 0 : i32
      %dma_start3A_639 = tpu.memref_slice %arg19[%dma_start3A_637, %dma_start3A_638] : memref<672x128xf32, #tpu.memory_space<vmem_shared>> -> memref<672x128xf32, #tpu.memory_space<vmem_shared>>
      tpu.enqueue_indirect_dma source(%dma_start3A_639 : memref<672x128xf32, #tpu.memory_space<vmem_shared>>) target(%dma_start3A_633 : memref<128x128xf32, #tpu.memory_space<vmem>>) offsets(%dma_start3A_636 : memref<128xi32, #tpu.memory_space<vmem>>) semaphore(%arg21 : memref<!tpu.dma_semaphore, #tpu.memory_space<semaphore_mem>>)
      %sub3A_640 = arith.constant 256 : i32
      %sub3A_641 = arith.subi %add3A_346, %sub3A_640 : i32
      %dma_wait3A_642 = arith.constant 0 : i32
      %dma_wait3A_643 = arith.constant 0 : i32
      %dma_wait3A_644 = tpu.memref_slice %arg7[%dma_wait3A_642, %dma_wait3A_643] : memref<819200x128xf32, #tpu.memory_space<hbm>> -> memref<256x128xf32, #tpu.memory_space<hbm>>
      %dma_wait3A_645 = arith.constant 0 : i32
      %dma_wait3A_646 = arith.constant 0 : i32
      %dma_wait3A_647 = tpu.memref_slice %arg7[%dma_wait3A_645, %dma_wait3A_646] : memref<819200x128xf32, #tpu.memory_space<hbm>> -> memref<256x128xf32, #tpu.memory_space<hbm>>
      tpu.wait_dma2 semaphore(%arg20 : memref<!tpu.dma_semaphore, #tpu.memory_space<semaphore_mem>>) src(%dma_wait3A_647 : memref<256x128xf32, #tpu.memory_space<hbm>>) dst(%arg17 : memref<256x128xf32, #tpu.memory_space<vmem>>)
      %dma_start3A_648 = arith.constant 0 : i32
      %dma_start3A_649 = tpu.memref_slice %arg7[%sub3A_641, %dma_start3A_648] : memref<819200x128xf32, #tpu.memory_space<hbm>> -> memref<256x128xf32, #tpu.memory_space<hbm>>
      %dma_start3A_650 = arith.constant 0 : i32
      %dma_start3A_651 = tpu.memref_slice %arg7[%sub3A_641, %dma_start3A_650] : memref<819200x128xf32, #tpu.memory_space<hbm>> -> memref<256x128xf32, #tpu.memory_space<hbm>>
      tpu.enqueue_dma source(%arg17 : memref<256x128xf32, #tpu.memory_space<vmem>>) target(%dma_start3A_651 : memref<256x128xf32, #tpu.memory_space<hbm>>) target_semaphore(%arg22 : memref<!tpu.dma_semaphore, #tpu.memory_space<semaphore_mem>>)
    }
    %scan3A_18 = arith.constant 50 : i32
    %add3A_19 = arith.constant 25600 : i32
    %add3A_20 = arith.addi %mul3A_2, %add3A_19 : i32
    %sub3A = arith.constant 256 : i32
    %sub3A_21 = arith.subi %add3A_20, %sub3A : i32
    %dma_wait3A = arith.constant 0 : i32
    %dma_wait3A_22 = arith.constant 0 : i32
    %dma_wait3A_23 = tpu.memref_slice %arg7[%dma_wait3A, %dma_wait3A_22] : memref<819200x128xf32, #tpu.memory_space<hbm>> -> memref<256x128xf32, #tpu.memory_space<hbm>>
    %dma_wait3A_24 = arith.constant 0 : i32
    %dma_wait3A_25 = arith.constant 0 : i32
    %dma_wait3A_26 = tpu.memref_slice %arg7[%dma_wait3A_24, %dma_wait3A_25] : memref<819200x128xf32, #tpu.memory_space<hbm>> -> memref<256x128xf32, #tpu.memory_space<hbm>>
    tpu.wait_dma2 semaphore(%arg21 : memref<!tpu.dma_semaphore, #tpu.memory_space<semaphore_mem>>) src(%dma_wait3A_26 : memref<256x128xf32, #tpu.memory_space<hbm>>) dst(%arg18 : memref<256x128xf32, #tpu.memory_space<vmem>>)
    %dma_start3A_27 = arith.constant 0 : i32
    %dma_start3A_28 = tpu.memref_slice %arg7[%sub3A_21, %dma_start3A_27] : memref<819200x128xf32, #tpu.memory_space<hbm>> -> memref<256x128xf32, #tpu.memory_space<hbm>>
    %dma_start3A_29 = arith.constant 0 : i32
    %dma_start3A_30 = tpu.memref_slice %arg7[%sub3A_21, %dma_start3A_29] : memref<819200x128xf32, #tpu.memory_space<hbm>> -> memref<256x128xf32, #tpu.memory_space<hbm>>
    tpu.enqueue_dma source(%arg18 : memref<256x128xf32, #tpu.memory_space<vmem>>) target(%dma_start3A_30 : memref<256x128xf32, #tpu.memory_space<hbm>>) target_semaphore(%arg23 : memref<!tpu.dma_semaphore, #tpu.memory_space<semaphore_mem>>)
    %dma_wait3A_31 = arith.constant 0 : i32
    %dma_wait3A_32 = tpu.memref_slice %arg7[%mul3A_2, %dma_wait3A_31] : memref<819200x128xf32, #tpu.memory_space<hbm>> -> memref<256x128xf32, #tpu.memory_space<hbm>>
    %dma_wait3A_33 = arith.constant 0 : i32
    %dma_wait3A_34 = tpu.memref_slice %arg7[%mul3A_2, %dma_wait3A_33] : memref<819200x128xf32, #tpu.memory_space<hbm>> -> memref<256x128xf32, #tpu.memory_space<hbm>>
    tpu.wait_dma2 semaphore(%arg22 : memref<!tpu.dma_semaphore, #tpu.memory_space<semaphore_mem>>) src(%arg17 : memref<256x128xf32, #tpu.memory_space<vmem>>) dst(%dma_wait3A_34 : memref<256x128xf32, #tpu.memory_space<hbm>>)
    %dma_wait3A_35 = arith.constant 0 : i32
    %dma_wait3A_36 = tpu.memref_slice %arg7[%mul3A_2, %dma_wait3A_35] : memref<819200x128xf32, #tpu.memory_space<hbm>> -> memref<256x128xf32, #tpu.memory_space<hbm>>
    %dma_wait3A_37 = arith.constant 0 : i32
    %dma_wait3A_38 = tpu.memref_slice %arg7[%mul3A_2, %dma_wait3A_37] : memref<819200x128xf32, #tpu.memory_space<hbm>> -> memref<256x128xf32, #tpu.memory_space<hbm>>
    tpu.wait_dma2 semaphore(%arg23 : memref<!tpu.dma_semaphore, #tpu.memory_space<semaphore_mem>>) src(%arg18 : memref<256x128xf32, #tpu.memory_space<vmem>>) dst(%dma_wait3A_38 : memref<256x128xf32, #tpu.memory_space<hbm>>)
    return
  }
}

</mosaic_0001>

<sc_bundles>
// kernel: kernel.3.cloned.1.call-start
scs
__scs_entry_jumppad:
0x0: {  	(pc) =	sbr.rel $0x88, $3  }
0x1: {  	(tag) =	ssettag $0x0;
	lr =	simm.s32 $0x1  }
0x2: {  	[smem:$0x3F9C] =	sst lr;
	_ =	strace $0xD0000000  }
0x3: {  	_ = 	snop  }
0x4: {  	_ = 	snop  }
0x5: {  	_ = 	snop  }
0x6: {  	_ = 	snop  }
0x7: {  	_ = 	snop  }
__scs_overlays_trampoline_lowered:
0x8: {  	[smem:$0x3FAB] =	sst s0  }
0x9: {  	[smem:$0x3FAC] =	sst s1  }
0xa: {  	[smem:$0x3FAD] =	sst s2  }
0xb: {  	[smem:$0x3FAE] =	sst s3  }
0xc: {  	[smem:$0x3FAF] =	sst s4  }
0xd: {  	[smem:$0x3FB0] =	sst s5  }
0xe: {  	[smem:$0x3FB1] =	sst s6  }
0xf: {  	[smem:$0x3FB2] =	sst s7  }
0x10: {  	[smem:$0x3FB3] =	sst s8  }
0x11: {  	[smem:$0x3FB4] =	sst s9;
	s0 =	simm.s32 @!p0 $0x0  }
0x12: {  	s1 =	sld [smem:$0x3F9A];
	s0 =	simm.s32 @p0 $0x1  }
0x13: {  	[smem:$0x3FB5] =	sst s0;
	s0 =	simm.s32 @!p1 $0x0  }
0x14: {  	s2 =	sld [smem:$0x3F99];
	s0 =	simm.s32 @p1 $0x1  }
0x15: {  	[smem:$0x3FB6] =	sst s0;
	s0 =	simm.s32 @!p2 $0x0  }
0x16: {  	s3 =	sld [smem:$0x3FDB];
	s0 =	simm.s32 @p2 $0x1  }
0x17: {  	s4 =	simm.s32 $0x1BF5;
	[smem:$0x3FB8] =	sst s0  }
0x18: {  	s0 =	sld [smem:$0x3F9B];
	_ =	swait.ge [sflag:s4], $0x0  }
0x19: {  	s7 =	sld [smem:$0x3F9C]  }
0x1a: {  	s8 =	sadd.s32 $0xFFFFE003, lr  }
0x1b: {  	s9 =	sadd.s32 $0xFFFFFEF7, lr;
	s5 =	simm.s32 $0xFFFFFFFF;
	p2 =	slt.u32 s8, $0xFFFFF086  }
0x1c: {  	p1 =	slt.u32 s9, $0xF7A;
	s5 =	simm.s32 @!p2 $0x0  }
0x1d: {  	s5 =	simm.s32 @p1 $0x1;
	p0 =	seq.s32 s7, s2  }
0x1e: {  	s7 =	smul.u32 @!p0 $0xF7A, s2;
	p2 =	seq.s32 @!p0 s5, $0x0  }
0x1f: {  	s9 =	smul.u32 $0xF7A, s1;
	s8 =	simm.s32 @!p0 $0x1BF5;
	p2 =	por !p2, p0  }
0x20: {  	[sflag:s8] =	ssyncset.s32 @!p0 $0xFFFFF086;
	s6 =	sadd.s32 @!p0 s3, s7;
	s7 =	simm.s32 @!p0 $0x108  }
0x21: {  	s3 =	sadd.s32 s3, s9;
	s6 =	sadd.s32 @!p0 $0x88, s6;
	s7 =	simm.s32 @p2 $0x1082  }
0x22: {  	[simem:s7], [sflag:s8] =	dma.local @!p0 [hbm:s6], $0xF7A  }
0x23: {  	s9 =	sor.u32 $0xD0000000, s2;
	s6 =	simm.s32 $0x108;
	_ =	swait.ge @!p0 [sflag:s8], $0x0  }
0x24: {  	s3 =	sadd.s32 $0x88, s3;
	s6 =	simm.s32 @!p1 $0x1082;
	[sflag:s4] =	ssyncset.s32 $0xFFFFF086  }
0x25: {  	[simem:s6], [sflag:s4] =	dma.local [hbm:s3], $0xF7A  }
0x26: {  	[smem:$0x3F9C] =	sst s1;
	(tag) =	ssettag s2;
	_ =	strace s9  }
0x27: {  	s1 =	sld [smem:$0x3FAC]  }
0x28: {  	s2 =	sld [smem:$0x3FAD]  }
0x29: {  	s4 =	sld [smem:$0x3FAF]  }
0x2a: {  	p0 =	seq.s32 s5, $0x0;
	s5 =	sld [smem:$0x3FB0]  }
0x2b: {  	s6 =	sld [smem:$0x3FB1]  }
0x2c: {  	s7 =	sld [smem:$0x3FB2]  }
0x2d: {  	s3 =	simm.s32 $0x108;
	s8 =	sld [smem:$0x3FB3]  }
0x2e: {  	s3 =	simm.s32 @!p0 $0x1082;
	s9 =	sld [smem:$0x3FB4]  }
0x2f: {  	lr =	sadd.s32 s0, s3;
	s0 =	sld [smem:$0x3FAB]  }
0x30: {  	s3 =	sld [smem:$0x3FAE]  }
0x31: {  	[smem:$0x3FB7] =	sst s10  }
0x32: {  	s10 =	sld [smem:$0x3FB5];
	_ =	sdelay $0x3  }
0x33: {  	p0 =	seq.s32 s10, $0x1;
	s10 =	sld [smem:$0x3FB7];
	_ =	sdelay $0x3  }
0x34: {  	[smem:$0x3FB7] =	sst s10  }
0x35: {  	s10 =	sld [smem:$0x3FB6];
	_ =	sdelay $0x3  }
0x36: {  	p1 =	seq.s32 s10, $0x1;
	s10 =	sld [smem:$0x3FB7];
	_ =	sdelay $0x3  }
0x37: {  	[smem:$0x3FB7] =	sst s10  }
0x38: {  	s10 =	sld [smem:$0x3FB8]  }
0x39: {  	_ = 	snop;
	(pc) =	sbr.ind lr, $3  }
0x3a: {  	_ = 	snop  }
0x3b: {  	_ = 	snop  }
0x3c: {  	p2 =	seq.s32 s10, $0x1;
	s10 =	sld [smem:$0x3FB7]  }
0x3d: {  	_ =	shalt  }
0x3e: {  	_ =	shalt  }
0x3f: {  	_ =	shalt  }
0x40: {  	_ =	shalt  }
0x41: {  	_ =	shalt  }
0x42: {  	_ =	shalt  }
0x43: {  	_ =	shalt  }
0x44: {  	_ =	shalt  }
0x45: {  	_ =	shalt  }
0x46: {  	_ =	shalt  }
0x47: {  	_ =	shalt  }
0x48: {  	_ =	shalt  }
0x49: {  	_ =	shalt  }
0x4a: {  	_ =	shalt  }
0x4b: {  	_ =	shalt  }
0x4c: {  	_ =	shalt  }
0x4d: {  	_ =	shalt  }
0x4e: {  	_ =	shalt  }
0x4f: {  	_ =	shalt  }
0x50: {  	_ =	shalt  }
0x51: {  	_ =	shalt  }
0x52: {  	_ =	shalt  }
0x53: {  	_ =	shalt  }
0x54: {  	_ =	shalt  }
0x55: {  	_ =	shalt  }
0x56: {  	_ =	shalt  }
0x57: {  	_ =	shalt  }
0x58: {  	_ =	shalt  }
0x59: {  	_ =	shalt  }
0x5a: {  	_ =	shalt  }
0x5b: {  	_ =	shalt  }
0x5c: {  	_ =	shalt  }
0x5d: {  	_ =	shalt  }
0x5e: {  	_ =	shalt  }
0x5f: {  	_ =	shalt  }
0x60: {  	_ =	shalt  }
0x61: {  	_ =	shalt  }
0x62: {  	_ =	shalt  }
0x63: {  	_ =	shalt  }
0x64: {  	_ =	shalt  }
0x65: {  	_ =	shalt  }
0x66: {  	_ =	shalt  }
0x67: {  	_ =	shalt  }
0x68: {  	_ =	shalt  }
0x69: {  	_ =	shalt  }
0x6a: {  	_ =	shalt  }
0x6b: {  	_ =	shalt  }
0x6c: {  	_ =	shalt  }
0x6d: {  	_ =	shalt  }
0x6e: {  	_ =	shalt  }
0x6f: {  	_ =	shalt  }
0x70: {  	_ =	shalt  }
0x71: {  	_ =	shalt  }
0x72: {  	_ =	shalt  }
0x73: {  	_ =	shalt  }
0x74: {  	_ =	shalt  }
0x75: {  	_ =	shalt  }
0x76: {  	_ =	shalt  }
0x77: {  	_ =	shalt  }
0x78: {  	_ =	shalt  }
0x79: {  	_ =	shalt  }
0x7a: {  	_ =	shalt  }
0x7b: {  	_ =	shalt  }
0x7c: {  	_ =	shalt  }
0x7d: {  	_ =	shalt  }
0x7e: {  	_ =	shalt  }
0x7f: {  	_ =	shalt  }
0x80: {  	_ =	shalt  }
0x81: {  	_ =	shalt  }
0x82: {  	_ =	shalt  }
0x83: {  	_ =	shalt  }
0x84: {  	_ =	shalt  }
0x85: {  	_ =	shalt  }
0x86: {  	_ =	shalt  }
0x87: {  	_ =	shalt  }
.Lfunc_end0:
.L_simem_size_0:
called_computation_lowered:
.L_overlay_start_0:
0x88: {  	s2 =	sld [smem:$0x3FD9]  }
0x89: {  	s3 =	sld [smem:$0x3FFE];
	_ =	sdelay $0x1  }
0x8a: {  	s1 =	srdreg.scid  }
0x8b: {  	s0 =	sand.u32 $0x1, s1  }
0x8c: {  	s17 =	sshll.u32 s0, $0xA;
	s2 =	sadd.s32 s3, s2  }
0x8d: {  	s2 =	sadd.s32 s2, s17  }
0x8e: {  	[smem:$0x3FC3] =	sst s2  }
0x8f: {  	_ = 	snop  }
0x90: {  	s2 =	sld [smem:$0x3FC7]  }
0x91: {  	s18 =	sld [smem:$0x3FC6]  }
0x92: {  	s4 =	sld [smem:$0x3FC5]  }
0x93: {  	s5 =	sld [smem:$0x3FD0];
	(tm) =	ssettm $0x1  }
0x94: {  	s6 =	sld [smem:$0x3FFB];
	_ =	sdelay $0x3  }
0x95: {  	_ =	strace s6  }
0x96: {  	s6 =	sld [smem:$0x3FFC];
	_ =	sdelay $0x3  }
0x97: {  	_ =	strace s6  }
0x98: {  	s6 =	sld [smem:$0x3FFD];
	_ =	sdelay $0x3  }
0x99: {  	_ =	strace s6  }
0x9a: {  	_ =	strace $0x8FFFFFFF  }
0x9b: {  	s19 =	sld [smem:$0x3FDB];
	_ =	sdelay $0x1  }
0x9c: {  	s7 =	simm.s32 $_scs_section_size  }
0x9d: {  	s8 =	simm.s32 $_size__tile_overlayer_lowered;
	s9 =	simm.s32 $_tile_overlayer_lowered  }
0x9e: {  	s22 =	simm.s32 $0x1BFF;
	s21 =	sshll.u32 s9, $0x1;
	s6 =	sadd.s32 s7, s19  }
0x9f: {  	s10 =	simm.s32 $0x0;
	s20 =	sshll.u32 s8, $0x1;
	s8 =	sadd.s32 s21, s6  }
0xa0: {  	[timem:s10], [sflag:s22] =	dma.local [hbm:s8], s20  }
0xa1: {  	_ =	swait.ge [sflag:s22], s20  }
0xa2: {  	s7 =	ssub.s32 $0x0, s20;
	[sflag:s22] =	ssyncset.done $0x0  }
0xa3: {  	[sflag:s22] =	ssyncadd.s32 s7;
	_ =	sdelay $0x1  }
0xa4: {  	s23 =	simm.s32 $0x1B8B  }
0xa5: {  	_ =	swait.ge [sflag:s23], $0x1  }
0xa6: {  	[sflag:s23] =	ssyncset.done $0x0  }
0xa7: {  	s25 =	simm.s32 $0x1B8E;
	s24 =	sld [smem:$0x3FFE];
	[sflag:s23] =	ssyncadd.s32 $0xFFFFFFFF  }
0xa8: {  	s26 =	simm.s32 $execute0_lowered;
	[smem:$0x3FD2] =	sst s25  }
0xa9: {  	s8 =	sshll.u32 s26, $0x1;
	_ =	strace $0x80000046;
	[dreg:$0x1] =	wrdreg $0xFFFFFFFF  }
0xaa: {  	s28 =	simm.s32 $_size_execute0_lowered;
	s6 =	sadd.s32 s6, s8;
	[dreg:$0x0] =	wrdreg $0x0  }
0xab: {  	s8 =	sshll.u32 s28, $0x1;
	[dreg:$0x2] =	wrdreg s6  }
0xac: {  	[dreg:$0x3] =	wrdreg s8  }
0xad: {  	[dreg:$0x4] =	wrdreg $0xC0  }
0xae: {  	_ =	task [dreg:s10], $0x5FFFF  }
0xaf: {  	[dreg:$0x1] =	wrdreg $0xFFFFFFFF  }
0xb0: {  	[dreg:$0x0] =	wrdreg $0x60  }
0xb1: {  	[dreg:$0x2] =	wrdreg s2  }
0xb2: {  	[dreg:$0x3] =	wrdreg s18  }
0xb3: {  	[dreg:$0x4] =	wrdreg s4  }
0xb4: {  	[dreg:$0x5] =	wrdreg s24  }
0xb5: {  	[dreg:$0x6] =	wrdreg s5  }
0xb6: {  	[dreg:$0x7] =	wrdreg $0x118000  }
0xb7: {  	[dreg:$0x8] =	wrdreg $0x9  }
0xb8: {  	_ =	task.clear_ibuf [dreg:s10], $0x9FFFF;
	_ =	strace $0x90000046  }
0xb9: {  	s29 =	simm.s32 $0x9;
	_ =	strace $0x80000048  }
0xba: {  	_ =	swait.ge [sflag:s29], $0x1  }
0xbb: {  	[sflag:s29] =	ssyncadd.s32 $0xFFFFFFFF  }
0xbc: {  	_ =	strace $0x90000048  }
0xbd: {  	_ =	sfence  }
0xbe: {  	s30 =	sld [smem:$0x0];
	_ =	sdelay $0x2  }
0xbf: {  	s31 =	sshll.u32 s1, $0xD;
	s1 =	sshrl.u32 s1, $0x2  }
0xc0: {  	s3 =	sand.u32 $0x4000, s31;
	s1 =	sadd.s32 s1, s30  }
0xc1: {  	s0 =	sor.u32 s3, s0;
	s1 =	sshll.u32 s1, $0x11  }
0xc2: {  	s0 =	sor.u32 s1, s0  }
0xc3: {  	s0 =	sadd.s32 $0x8F2B, s0  }
0xc4: {  	[sflag:s0] =	ssyncadd.remote.s32 $0x1  }
0xc5: {  	_ =	sfence.sel $0xFFFF  }
0xc6: {  	[dreg:$0x0] =	wrdreg $0xFFFFFFFF;
	(pc) =	sbr.abs _section_cstart, $3  }
0xc7: {  	[dreg:$0x1] =	wrdreg $0xFFFFFFFF  }
0xc8: {  	_ =	task.clear_ibuf [dreg:s10], $0x2FFFF;
	_ =	strace $0x9FFFFFFF  }
0xc9: {  	(tm) =	ssettm $0x7FFFFFFF  }
tec
execute0_lowered:
.L_overlay_start_1:
0x0: {  	(tag) =	ssettag $0x1  }
0x1: {  	s0 =	rddreg [dreg:$0x3]  }
0x2: {  	s5 =	rddreg [dreg:$0x4];
	s1 =	srdreg.scid  }
0x3: {  	s13 =	stileid.u32;
	s6 =	rddreg [dreg:$0x5]  }
0x4: {  	s7 =	simm.s32 $0x0;
	s22 =	simm.s32 $0x1300;
	s23 =	simm.s32 $0x1500  }
0x5: {  	s28 =	simm.s32 $0x9800;
	s29 =	simm.s32 $0x2;
	s8 =	smul.u32 $0x2A, s13  }
0x6: {  	s30 =	simm.s32 $0x3;
	s31 =	simm.s32 $0x4;
	s11 =	smul.u32 $0x5400, s13  }
0x7: {  	s1 =	sand.u32 $0x1, s1;
	s2 =	sshll.u32 s13, $0x1;
	s25 =	smul.u32 $0xC800, s13  }
0x8: {  	[smem:$0x7FF] =	sst s7;
	s9 =	sadd.s32 $0x600, s0;
	s15 =	smul.u32 $0x640000, s13  }
0x9: {  	s2 =	sor.u32 s1, s2;
	_ =	strace $0x80000047;
	s14 =	smul.u32 $0x6400, s1  }
0xa: {  	s4 =	ssub.s32 $0x2, s1;
	s1 =	smul.u32 $0x320000, s1;
	[dreg:$0xb] =	wrdreg s22  }
0xb: {  	s0 =	sadd.s32 $0x19600, s0;
	[dreg:$0xc] =	wrdreg s23;
	s3 =	smul.u32 $0x6400, s2  }
0xc: {  	s10 =	sshrl.u32 s4, $0x1;
	s2 =	smul.u32 $0x320000, s2;
	s24 =	sshrl.u32 s11, $0x2  }
0xd: {  	s4 =	ssub.s32 s4, s10;
	s12 =	sadd.s32 s24, s6;
	s11 =	sadd.s32 s14, s25  }
0xe: {  	s14 =	sadd.s32 $0xE00, s24;
	s24 =	simm.s32 $0x1700;
	s25 =	simm.s32 $0x1780  }
0xf: {  	s3 =	sshrl.u32 s3, $0x3;
	[dreg:$0x10] =	wrdreg s12;
	s2 =	sshrl.u32 s2, $0x3  }
0x10: {  	s13 =	smax.u32 s4, $0x1;
	s16 =	sor.u32 $0x200, s11;
	[dreg:$0xd] =	wrdreg s24  }
0x11: {  	s20 =	sshrl.u32 s11, $0x3;
	[dreg:$0xe] =	wrdreg s25;
	s24 =	simm.s32 $0x5  }
0x12: {  	s25 =	simm.s32 $0x6;
	s26 =	sadd.s32 s9, s3;
	s3 =	sadd.s32 s0, s3  }
0x13: {  	s2 =	sadd.s32 s5, s2;
	s17 =	sshrl.u32 s16, $0x3;
	[dreg:$0x11] =	wrdreg s26  }
0x14: {  	s21 =	sadd.s32 s20, s9;
	[dreg:$0x12] =	wrdreg s3;
	s2 =	sadd.s32 $0x63000, s2  }
0x15: {  	s3 =	sadd.s32 s1, s15;
	s19 =	sadd.s32 s17, s0;
	s1 =	sadd.s32 s17, s9  }
0x16: {  	s4 =	sadd.s32 $0x20, s21;
	s0 =	sadd.s32 s20, s0;
	[dreg:$0x13] =	wrdreg s2  }
0x17: {  	s17 =	simm.s32 $0x7;
	s20 =	simm.s32 $0x1;
	[dreg:$0x7] =	wrdreg s19  }
0x18: {  	s21 =	simm.s32 $0x1800;
	s26 =	simm.s32 $0xD800;
	[dreg:$0x8] =	wrdreg s1  }
0x19: {  	s18 =	sshrl.u32 s3, $0x3;
	[dreg:$0x9] =	wrdreg s4;
	s0 =	sadd.s32 $0x20, s0  }
0x1a: {  	s16 =	sadd.s32 $0xFFFF8000, s3;
	[dreg:$0xf] =	wrdreg s26;
	s26 =	simm.s32 $0x80  }
0x1b: {  	s4 =	simm.s32 $0x0;
	s1 =	sadd.s32 s18, s5;
	[dreg:$0xa] =	wrdreg s0  }
.LBB2_1:
0x1c: {  	s0 =	rddreg [dreg:$0x0]  }
0x1d: {  	[tilespmem:s7], [sflag:$0x7] =	stream.linear.gather [hbm4b:s0+s7], $0x200, $0x38;
	[tilespmem:$0x12D00] =	vst v63  }
0x1e: {  	_ =	swait.ge [sflag:s17], $0x200  }
0x1f: {  	[sflag:s17] =	ssyncset.done $0x0  }
0x20: {  	[sflag:s17] =	ssyncadd.s32 $0xFFFFFE00  }
0x21: {  	s2 =	simm.s32 $0x200;
	s11 =	rddreg [dreg:$0x1]  }
0x22: {  	[tilespmem:s2], [sflag:$0x7] =	stream.linear.gather [hbm4b:s11+s7], $0xC00, $0x38;
	[tilespmem:$0x12D00] =	vst v63  }
0x23: {  	s12 =	sadd.s32 $0x0, s8;
	_ =	swait.ge [sflag:s17], $0xC00  }
0x24: {  	s15 =	smulhi.u32 $0x24924925, s12;
	[sflag:s17] =	ssyncset.done $0x0  }
0x25: {  	[sflag:s17] =	ssyncadd.s32 $0xFFFFF400  }
0x26: {  	s9 =	simm.s32 $0xE00;
	s18 =	ssub.s32 s12, s15;
	s3 =	rddreg [dreg:$0x2]  }
0x27: {  	[tilespmem:s9], [sflag:$0x7] =	stream.linear.gather [hbm4b:s3+s7], $0x380, $0x38;
	[tilespmem:$0x12D00] =	vst v63  }
0x28: {  	s3 =	sshrl.u32 s18, $0x1  }
0x29: {  	s2 =	sadd.s32 s15, s3  }
0x2a: {  	s2 =	sshrl.u32 s2, $0x2  }
0x2b: {  	s19 =	smulhi.u32 $0x24924925, s8;
	s10 =	simm.s32 $0x1;
	s2 =	sand.u32 $0x3, s2  }
0x2c: {  	p0 =	slt.u32 s12, $0x7;
	s0 =	sshrl.u32 s12, $0x2;
	p1 =	sne.s32 s2, $0x0  }
0x2d: {  	s22 =	ssub.s32 s8, s19;
	s0 =	smulhi.u32 $0x24924925, s0;
	p0 =	por !p0, !p1  }
0x2e: {  	s9 =	sshrl.u32 s22, $0x1;
	_ =	swait.ge [sflag:s17], $0x380;
	p0 =	por !p0, !p0  }
0x2f: {  	s3 =	sadd.s32 s19, s9;
	[sflag:s17] =	ssyncset.done $0x0;
	s10 =	simm.s32 @!p0 $0x0  }
0x30: {  	s3 =	sshrl.u32 s3, $0x2;
	[sflag:s17] =	ssyncadd.s32 $0xFFFFFC80;
	s0 =	ssub.s32 s0, s10  }
0x31: {  	s3 =	smul.u32 $0xFFFFF200, s3;
	s2 =	sshll.u32 s2, $0x7;
	s0 =	sshll.u32 s0, $0x9  }
0x32: {  	v0 =	vld [tilespmem:s2+$0x0];
	s12 =	sshra.s32 s0, $0x2  }
0x33: {  	s23 =	sshra.s32 s3, $0x2;
	v1 =	vld [tilespmem:s12+$0x200]  }
0x34: {  	s3 =	sadd.s32 s23, s14  }
0x35: {  	v2 =	vld [tilespmem:s3+$0x0];
	_ =	sdelay $0x2  }
0x36: {  	v0 =	vadd.f32 v0, v1;
	_ =	sdelay $0x1  }
0x37: {  	v0 =	vadd.f32 v2, v0  }
0x38: {  	s0 =	simm.s32 $0x1840  }
0x39: {  	[tilespmem:s0+$0xFFFFFFC0] =	vst v0  }
0x3a: {  	v0 =	vld [tilespmem:s12+$0x210]  }
0x3b: {  	v1 =	vld [tilespmem:s2+$0x10];
	_ =	sdelay $0x1  }
0x3c: {  	v2 =	vld [tilespmem:s3+$0x10];
	_ =	sdelay $0x2  }
0x3d: {  	v0 =	vadd.f32 v1, v0;
	_ =	sdelay $0x1  }
0x3e: {  	v0 =	vadd.f32 v2, v0;
	_ =	sdelay $0x1  }
0x3f: {  	[tilespmem:s0+$0xFFFFFFD0] =	vst v0  }
0x40: {  	v0 =	vld [tilespmem:s12+$0x220]  }
0x41: {  	v1 =	vld [tilespmem:s2+$0x20];
	_ =	sdelay $0x1  }
0x42: {  	v2 =	vld [tilespmem:s3+$0x20];
	_ =	sdelay $0x2  }
0x43: {  	v0 =	vadd.f32 v1, v0;
	_ =	sdelay $0x1  }
0x44: {  	v0 =	vadd.f32 v2, v0;
	_ =	sdelay $0x1  }
0x45: {  	[tilespmem:s0+$0xFFFFFFE0] =	vst v0  }
0x46: {  	v0 =	vld [tilespmem:s12+$0x230]  }
0x47: {  	v1 =	vld [tilespmem:s2+$0x30];
	_ =	sdelay $0x1  }
0x48: {  	v2 =	vld [tilespmem:s3+$0x30];
	_ =	sdelay $0x2  }
0x49: {  	v0 =	vadd.f32 v1, v0;
	_ =	sdelay $0x1  }
0x4a: {  	v0 =	vadd.f32 v2, v0;
	_ =	sdelay $0x1  }
0x4b: {  	[tilespmem:s0+$0xFFFFFFF0] =	vst v0  }
0x4c: {  	v0 =	vld [tilespmem:s12+$0x240]  }
0x4d: {  	v1 =	vld [tilespmem:s2+$0x40];
	_ =	sdelay $0x1  }
0x4e: {  	v2 =	vld [tilespmem:s3+$0x40];
	_ =	sdelay $0x2  }
0x4f: {  	v0 =	vadd.f32 v1, v0;
	_ =	sdelay $0x1  }
0x50: {  	v0 =	vadd.f32 v2, v0;
	_ =	sdelay $0x1  }
0x51: {  	[tilespmem:s0+$0x0] =	vst v0  }
0x52: {  	v0 =	vld [tilespmem:s12+$0x250]  }
0x53: {  	v1 =	vld [tilespmem:s2+$0x50];
	_ =	sdelay $0x1  }
0x54: {  	v2 =	vld [tilespmem:s3+$0x50];
	_ =	sdelay $0x2  }
0x55: {  	v0 =	vadd.f32 v1, v0;
	_ =	sdelay $0x1  }
0x56: {  	v0 =	vadd.f32 v2, v0;
	_ =	sdelay $0x1  }
0x57: {  	[tilespmem:s0+$0x10] =	vst v0  }
0x58: {  	v0 =	vld [tilespmem:s12+$0x260]  }
0x59: {  	v1 =	vld [tilespmem:s2+$0x60];
	_ =	sdelay $0x1  }
0x5a: {  	v2 =	vld [tilespmem:s3+$0x60];
	_ =	sdelay $0x2  }
0x5b: {  	v0 =	vadd.f32 v1, v0;
	_ =	sdelay $0x1  }
0x5c: {  	s11 =	sadd.s32 $0x1, s8;
	v0 =	vadd.f32 v2, v0  }
0x5d: {  	s22 =	smulhi.u32 $0x24924925, s11  }
0x5e: {  	s18 =	sadd.s32 $0x1, s8;
	[tilespmem:s0+$0x20] =	vst v0  }
0x5f: {  	s9 =	simm.s32 $0x2;
	s15 =	ssub.s32 s11, s22;
	s10 =	sshrl.u32 s11, $0x2;
	v0 =	vld [tilespmem:s12+$0x270]  }
0x60: {  	s12 =	sshrl.u32 s15, $0x1;
	v1 =	vld [tilespmem:s2+$0x70];
	s2 =	simm.s32 $0x18C0;
	s15 =	smov.u32 s14  }
.LBB2_2:
0x61: {  	s12 =	sadd.s32 s22, s12  }
0x62: {  	v2 =	vld [tilespmem:s3+$0x70];
	s15 =	sadd.s32 $0x80, s15;
	s22 =	smov.u32 s9;
	s19 =	sadd.s32 $0x1, s9  }
0x63: {  	p0 =	sne.s32 s9, $0x29;
	s9 =	smulhi.u32 $0x24924925, s18;
	s3 =	sshrl.u32 s12, $0x2  }
0x64: {  	s3 =	sand.u32 $0x3, s3  }
0x65: {  	p1 =	slt.u32 s11, $0x7;
	s11 =	ssub.s32 s18, s9;
	p2 =	sne.s32 s3, $0x0  }
0x66: {  	s10 =	smulhi.u32 $0x24924925, s10;
	s11 =	sshrl.u32 s11, $0x1;
	p1 =	por !p1, !p2;
	v0 =	vadd.f32 v1, v0  }
0x67: {  	s9 =	sadd.s32 s9, s11;
	s11 =	simm.s32 $0x1;
	p1 =	por !p1, !p1  }
0x68: {  	s11 =	simm.s32 @!p1 $0x0;
	v0 =	vadd.f32 v2, v0  }
0x69: {  	s9 =	sshrl.u32 s9, $0x2;
	s10 =	ssub.s32 s10, s11  }
0x6a: {  	s23 =	sshll.u32 s3, $0x7;
	s11 =	smul.u32 $0xFFFFF200, s9;
	s9 =	sshll.u32 s10, $0x9;
	[tilespmem:s0+$0x30] =	vst v0  }
0x6b: {  	s0 =	smov.u32 s2;
	s9 =	sshra.s32 s9, $0x2;
	v0 =	vld [tilespmem:s23+$0x0]  }
0x6c: {  	s3 =	sshra.s32 s11, $0x2;
	v1 =	vld [tilespmem:s9+$0x200]  }
0x6d: {  	s3 =	sadd.s32 s3, s15  }
0x6e: {  	v2 =	vld [tilespmem:s3+$0x0];
	_ =	sdelay $0x2  }
0x6f: {  	v0 =	vadd.f32 v0, v1;
	_ =	sdelay $0x1  }
0x70: {  	v0 =	vadd.f32 v2, v0;
	_ =	sdelay $0x1  }
0x71: {  	[tilespmem:s2+$0xFFFFFFC0] =	vst v0  }
0x72: {  	v0 =	vld [tilespmem:s9+$0x210]  }
0x73: {  	v1 =	vld [tilespmem:s23+$0x10];
	_ =	sdelay $0x1  }
0x74: {  	v2 =	vld [tilespmem:s3+$0x10];
	_ =	sdelay $0x2  }
0x75: {  	v0 =	vadd.f32 v1, v0;
	_ =	sdelay $0x1  }
0x76: {  	v0 =	vadd.f32 v2, v0;
	_ =	sdelay $0x1  }
0x77: {  	[tilespmem:s2+$0xFFFFFFD0] =	vst v0  }
0x78: {  	v0 =	vld [tilespmem:s3+$0x20]  }
0x79: {  	v1 =	vld [tilespmem:s9+$0x220]  }
0x7a: {  	v2 =	vld [tilespmem:s23+$0x20];
	_ =	sdelay $0x4  }
0x7b: {  	v1 =	vadd.f32 v2, v1;
	_ =	sdelay $0x1  }
0x7c: {  	v0 =	vadd.f32 v0, v1;
	_ =	sdelay $0x1  }
0x7d: {  	[tilespmem:s2+$0xFFFFFFE0] =	vst v0  }
0x7e: {  	v0 =	vld [tilespmem:s9+$0x230]  }
0x7f: {  	v1 =	vld [tilespmem:s23+$0x30];
	_ =	sdelay $0x1  }
0x80: {  	v2 =	vld [tilespmem:s3+$0x30];
	_ =	sdelay $0x2  }
0x81: {  	v0 =	vadd.f32 v1, v0;
	_ =	sdelay $0x1  }
0x82: {  	v0 =	vadd.f32 v2, v0;
	_ =	sdelay $0x1  }
0x83: {  	[tilespmem:s2+$0xFFFFFFF0] =	vst v0  }
0x84: {  	v0 =	vld [tilespmem:s9+$0x240]  }
0x85: {  	v1 =	vld [tilespmem:s23+$0x40];
	_ =	sdelay $0x1  }
0x86: {  	v2 =	vld [tilespmem:s3+$0x40];
	_ =	sdelay $0x2  }
0x87: {  	v0 =	vadd.f32 v1, v0;
	_ =	sdelay $0x1  }
0x88: {  	v0 =	vadd.f32 v2, v0;
	_ =	sdelay $0x1  }
0x89: {  	[tilespmem:s2+$0x0] =	vst v0  }
0x8a: {  	v0 =	vld [tilespmem:s9+$0x250]  }
0x8b: {  	v1 =	vld [tilespmem:s23+$0x50]  }
0x8c: {  	v2 =	vld [tilespmem:s3+$0x50];
	_ =	sdelay $0x3  }
0x8d: {  	v0 =	vadd.f32 v1, v0;
	_ =	sdelay $0x1  }
0x8e: {  	v0 =	vadd.f32 v2, v0;
	_ =	sdelay $0x1  }
0x8f: {  	[tilespmem:s2+$0x10] =	vst v0  }
0x90: {  	v0 =	vld [tilespmem:s9+$0x260]  }
0x91: {  	v1 =	vld [tilespmem:s23+$0x60]  }
0x92: {  	v2 =	vld [tilespmem:s3+$0x60];
	_ =	sdelay $0x3  }
0x93: {  	v0 =	vadd.f32 v1, v0;
	_ =	sdelay $0x1  }
.Ltmp0:
0x94: {  	s11 =	sadd.s32 s22, s8;
	v0 =	vadd.f32 v2, v0;
	(pc) =	sbr.rel @p0 .LBB2_2-.Ltmp0, $4  }
0x95: {  	s22 =	smulhi.u32 $0x24924925, s11;
	s10 =	sshrl.u32 s11, $0x2  }
0x96: {  	[tilespmem:s2+$0x20] =	vst v0  }
0x97: {  	s18 =	sadd.s32 $0x1, s18;
	s12 =	ssub.s32 s11, s22;
	v0 =	vld [tilespmem:s9+$0x270]  }
0x98: {  	s12 =	sshrl.u32 s12, $0x1;
	s2 =	sadd.s32 $0x80, s2;
	s9 =	smov.u32 s19;
	v1 =	vld [tilespmem:s23+$0x70]  }
0x99: {  	s9 =	sadd.s32 s22, s12  }
0x9a: {  	v2 =	vld [tilespmem:s3+$0x70];
	s19 =	sshrl.u32 s9, $0x2  }
0x9b: {  	s22 =	smulhi.u32 $0x24924925, s18;
	s3 =	sand.u32 $0x3, s19  }
0x9c: {  	p0 =	slt.u32 s11, $0x7;
	p1 =	sne.s32 s3, $0x0  }
0x9d: {  	s10 =	smulhi.u32 $0x24924925, s10;
	s23 =	ssub.s32 s18, s22;
	p0 =	por !p0, !p1;
	v0 =	vadd.f32 v1, v0  }
0x9e: {  	s12 =	simm.s32 $0x1;
	s11 =	sshrl.u32 s23, $0x1;
	p0 =	por !p0, !p0  }
0x9f: {  	s9 =	sadd.s32 s22, s11;
	s12 =	simm.s32 @!p0 $0x0;
	v0 =	vadd.f32 v2, v0  }
0xa0: {  	s9 =	sshrl.u32 s9, $0x2;
	s10 =	ssub.s32 s10, s12  }
0xa1: {  	s3 =	sshll.u32 s3, $0x7;
	s9 =	smul.u32 $0xFFFFF200, s9;
	s10 =	sshll.u32 s10, $0x9;
	[tilespmem:s0+$0x30] =	vst v0  }
0xa2: {  	s11 =	sshra.s32 s10, $0x2;
	v0 =	vld [tilespmem:s3+$0x0]  }
0xa3: {  	s12 =	sadd.s32 $0x80, s15;
	s9 =	sshra.s32 s9, $0x2;
	v48 =	vld [tilespmem:s11+$0x200]  }
0xa4: {  	s9 =	sadd.s32 s9, s12  }
0xa5: {  	v49 =	vld [tilespmem:s9+$0x0];
	_ =	sdelay $0x2  }
0xa6: {  	v0 =	vadd.f32 v0, v48;
	_ =	sdelay $0x1  }
0xa7: {  	v0 =	vadd.f32 v49, v0;
	_ =	sdelay $0x1  }
0xa8: {  	[tilespmem:s2+$0xFFFFFFC0] =	vst v0  }
0xa9: {  	v0 =	vld [tilespmem:s11+$0x210]  }
0xaa: {  	v50 =	vld [tilespmem:s3+$0x10];
	_ =	sdelay $0x1  }
0xab: {  	v51 =	vld [tilespmem:s9+$0x10];
	_ =	sdelay $0x2  }
0xac: {  	v0 =	vadd.f32 v50, v0;
	_ =	sdelay $0x1  }
0xad: {  	v0 =	vadd.f32 v51, v0;
	_ =	sdelay $0x1  }
0xae: {  	[tilespmem:s2+$0xFFFFFFD0] =	vst v0  }
0xaf: {  	v0 =	vld [tilespmem:s11+$0x220]  }
0xb0: {  	v52 =	vld [tilespmem:s3+$0x20];
	_ =	sdelay $0x1  }
0xb1: {  	v53 =	vld [tilespmem:s9+$0x20];
	_ =	sdelay $0x2  }
0xb2: {  	v0 =	vadd.f32 v52, v0;
	_ =	sdelay $0x1  }
0xb3: {  	v0 =	vadd.f32 v53, v0;
	_ =	sdelay $0x1  }
0xb4: {  	[tilespmem:s2+$0xFFFFFFE0] =	vst v0  }
0xb5: {  	v0 =	vld [tilespmem:s11+$0x230]  }
0xb6: {  	v54 =	vld [tilespmem:s3+$0x30];
	_ =	sdelay $0x1  }
0xb7: {  	v55 =	vld [tilespmem:s9+$0x30];
	_ =	sdelay $0x2  }
0xb8: {  	v0 =	vadd.f32 v54, v0;
	_ =	sdelay $0x1  }
0xb9: {  	v0 =	vadd.f32 v55, v0;
	_ =	sdelay $0x1  }
0xba: {  	[tilespmem:s2+$0xFFFFFFF0] =	vst v0  }
0xbb: {  	v0 =	vld [tilespmem:s11+$0x240]  }
0xbc: {  	v56 =	vld [tilespmem:s3+$0x40];
	_ =	sdelay $0x1  }
0xbd: {  	v57 =	vld [tilespmem:s9+$0x40];
	_ =	sdelay $0x2  }
0xbe: {  	v0 =	vadd.f32 v56, v0;
	_ =	sdelay $0x1  }
0xbf: {  	v0 =	vadd.f32 v57, v0;
	_ =	sdelay $0x1  }
0xc0: {  	[tilespmem:s2+$0x0] =	vst v0  }
0xc1: {  	v0 =	vld [tilespmem:s11+$0x250]  }
0xc2: {  	v58 =	vld [tilespmem:s3+$0x50];
	_ =	sdelay $0x1  }
0xc3: {  	v59 =	vld [tilespmem:s9+$0x50];
	_ =	sdelay $0x2  }
0xc4: {  	v0 =	vadd.f32 v58, v0;
	_ =	sdelay $0x1  }
0xc5: {  	v0 =	vadd.f32 v59, v0;
	_ =	sdelay $0x1  }
0xc6: {  	[tilespmem:s2+$0x10] =	vst v0  }
0xc7: {  	v0 =	vld [tilespmem:s11+$0x260]  }
0xc8: {  	v60 =	vld [tilespmem:s3+$0x60];
	_ =	sdelay $0x1  }
0xc9: {  	v61 =	vld [tilespmem:s9+$0x60];
	_ =	sdelay $0x2  }
0xca: {  	v0 =	vadd.f32 v60, v0;
	_ =	sdelay $0x1  }
0xcb: {  	v0 =	vadd.f32 v61, v0;
	_ =	sdelay $0x1  }
0xcc: {  	[tilespmem:s2+$0x20] =	vst v0  }
0xcd: {  	v0 =	vld [tilespmem:s11+$0x270]  }
0xce: {  	v62 =	vld [tilespmem:s3+$0x70];
	_ =	sdelay $0x1  }
0xcf: {  	v63 =	vld [tilespmem:s9+$0x70];
	_ =	sdelay $0x2  }
0xd0: {  	v0 =	vadd.f32 v62, v0;
	_ =	sdelay $0x1  }
0xd1: {  	v0 =	vadd.f32 v63, v0;
	_ =	sdelay $0x1  }
0xd2: {  	s15 =	rddreg [dreg:$0x10];
	[tilespmem:s2+$0x30] =	vst v0  }
0xd3: {  	[spmem:s15] =	stream.linear.scatter [tilespmem:s21], [sflag:$0x7], $0x1500, $0x38;
	[tilespmem:$0x12D00] =	vst v63  }
0xd4: {  	_ =	swait.ge [sflag:s17], $0x1500  }
0xd5: {  	[sflag:s17] =	ssyncset.done $0x0  }
0xd6: {  	[sflag:s17] =	ssyncadd.s32 $0xFFFFEB00  }
0xd7: {  	s19 =	simm.s32 $0x1200;
	[bflag:$0x0] =	sbarrier.arrive $0xFFFF  }
0xd8: {  	s23 =	simm.s32 $0x1400;
	s0 =	simm.s32 $0x0;
	s18 =	rddreg [dreg:$0x11]  }
0xd9: {  	[tilespmem:s19], [sflag:$0x5] =	stream.linear.gather [hbm4b:s18+s0], $0x100, $0x38;
	[tilespmem:$0x12D00] =	vst v63  }
0xda: {  	s2 =	smov.u32 s16;
	s15 =	smov.u32 s1;
	s22 =	rddreg [dreg:$0x12]  }
0xdb: {  	[tilespmem:s23], [sflag:$0x5] =	stream.linear.gather [hbm4b:s22+s0], $0x100, $0x38;
	[tilespmem:$0x12D00] =	vst v63  }
.LBB2_4:
0xdc: {  	_ =	swait.ge [sflag:s24], $0x100  }
0xdd: {  	[sflag:s24] =	ssyncset.done $0x0  }
0xde: {  	[sflag:s24] =	ssyncadd.s32 $0xFFFFFF00  }
0xdf: {  	_ =	swait.ge [sflag:s24], $0x100  }
0xe0: {  	s3 =	rddreg [dreg:$0x9]  }
0xe1: {  	s9 =	rddreg [dreg:$0xb];
	[sflag:s24] =	ssyncset.done $0x0  }
0xe2: {  	s10 =	rddreg [dreg:$0xa];
	[sflag:s24] =	ssyncadd.s32 $0xFFFFFF00;
	s3 =	sadd.s32 s0, s3  }
0xe3: {  	[tilespmem:s9], [sflag:$0x6] =	stream.linear.gather [hbm4b:s3+s7], $0x100, $0x38;
	[tilespmem:$0x12D00] =	vst v63  }
0xe4: {  	s11 =	rddreg [dreg:$0xc];
	s18 =	sadd.s32 s0, s10  }
0xe5: {  	[tilespmem:s11], [sflag:$0x6] =	stream.linear.gather [hbm4b:s18+s7], $0x100, $0x38;
	[tilespmem:$0x12D00] =	vst v63  }
0xe6: {  	v0 =	vld [tilespmem:$0x1200]  }
0xe7: {  	v1 =	vld [tilespmem:$0x1400]  }
0xe8: {  	v2 =	vld [tilespmem:$0x1210]  }
0xe9: {  	v3 =	vld [tilespmem:$0x1410]  }
0xea: {  	v4 =	vld [tilespmem:$0x1220]  }
0xeb: {  	v5 =	vld [tilespmem:$0x1420]  }
0xec: {  	v6 =	vld [tilespmem:$0x1230]  }
0xed: {  	v7 =	vld [tilespmem:$0x1430]  }
0xee: {  	v8 =	vld [tilespmem:$0x1240]  }
0xef: {  	v9 =	vld [tilespmem:$0x1440]  }
0xf0: {  	v10 =	vld [tilespmem:$0x1250]  }
0xf1: {  	v11 =	vld [tilespmem:$0x1450]  }
0xf2: {  	v12 =	vld [tilespmem:$0x1260]  }
0xf3: {  	v13 =	vld [tilespmem:$0x1460]  }
0xf4: {  	v14 =	vld [tilespmem:$0x1270]  }
0xf5: {  	v15 =	vld [tilespmem:$0x1470]  }
0xf6: {  	v16 =	vld [tilespmem:$0x1280]  }
0xf7: {  	v17 =	vld [tilespmem:$0x1480]  }
0xf8: {  	v18 =	vld [tilespmem:$0x1290]  }
0xf9: {  	v19 =	vld [tilespmem:$0x1490];
	v0 =	vmul.u32 $0x7, v0  }
0xfa: {  	v20 =	vld [tilespmem:$0x12A0];
	v2 =	vmul.u32 $0x7, v2  }
0xfb: {  	v49 =	vld [tilespmem:$0x14A0];
	v48 =	vmul.u32 $0x7, v4;
	v0 =	vadd.s32 v1, v0  }
0xfc: {  	v52 =	vld [tilespmem:$0x12B0];
	v51 =	vmul.u32 $0x7, v6;
	v50 =	vadd.s32 v3, v2;
	[tilespmem:$0x1600] =	vst v0  }
0xfd: {  	v55 =	vld [tilespmem:$0x14B0];
	v54 =	vmul.u32 $0x7, v8;
	v53 =	vadd.s32 v5, v48;
	[tilespmem:$0x1610] =	vst v50  }
0xfe: {  	v58 =	vld [tilespmem:$0x12C0];
	v57 =	vmul.u32 $0x7, v10;
	v56 =	vadd.s32 v7, v51;
	[tilespmem:$0x1620] =	vst v53  }
0xff: {  	v61 =	vld [tilespmem:$0x14C0];
	v60 =	vmul.u32 $0x7, v12;
	v59 =	vadd.s32 v9, v54;
	[tilespmem:$0x1630] =	vst v56  }
0x100: {  	v25 =	vld [tilespmem:$0x12E0];
	v63 =	vmul.u32 $0x7, v14;
	v62 =	vadd.s32 v11, v57;
	[tilespmem:$0x1640] =	vst v59  }
0x101: {  	v28 =	vld [tilespmem:$0x12F0];
	v21 =	vmul.u32 $0x7, v16;
	v14 =	vadd.s32 v13, v60;
	[tilespmem:$0x1650] =	vst v62  }
0x102: {  	v31 =	vld [tilespmem:$0x14E0];
	v24 =	vmul.u32 $0x7, v18;
	v23 =	vadd.s32 v15, v63;
	[tilespmem:$0x1660] =	vst v14  }
0x103: {  	v12 =	vld [tilespmem:$0x12D0];
	v27 =	vmul.u32 $0x7, v20;
	v26 =	vadd.s32 v17, v21;
	[tilespmem:$0x1670] =	vst v23  }
0x104: {  	v34 =	vld [tilespmem:$0x14F0];
	v30 =	vmul.u32 $0x7, v52;
	v29 =	vadd.s32 v19, v24;
	[tilespmem:$0x1680] =	vst v26  }
0x105: {  	v22 =	vld [tilespmem:$0x14D0];
	v33 =	vmul.u32 $0x7, v58;
	v32 =	vadd.s32 v49, v27;
	[tilespmem:$0x1690] =	vst v29  }
0x106: {  	v38 =	vmul.u32 $0x7, v25;
	v35 =	vadd.s32 v55, v30;
	[tilespmem:$0x16A0] =	vst v32  }
0x107: {  	v40 =	vmul.u32 $0x7, v28;
	v37 =	vadd.s32 v61, v33;
	[tilespmem:$0x16B0] =	vst v35  }
0x108: {  	v41 =	vadd.s32 v31, v38;
	[tilespmem:$0x16C0] =	vst v37;
	v36 =	vmul.u32 $0x7, v12  }
0x109: {  	v42 =	vadd.s32 v34, v40;
	[tilespmem:$0x16E0] =	vst v41  }
0x10a: {  	p0 =	seq.s32 s0, $0x0;
	[tilespmem:$0x16F0] =	vst v42;
	v39 =	vadd.s32 v22, v36  }
0x10b: {  	s10 =	simm.s32 @p0 $0x1800;
	s3 =	simm.s32 @p0 $0x80;
	s9 =	simm.s32 @p0 $0x1600;
	[tilespmem:$0x16D0] =	vst v39  }
0x10c: {  	[tilespmem:s10], [sflag:$0x1] =	stream.indirect.gather @p0 [spmem:s6], $0x80, s9, s3, $0xb8;
	[tilespmem:$0x12D00] =	vst v63  }
0x10d: {  	s9 =	simm.s32 @p0 $0x1680;
	s10 =	simm.s32 @p0 $0x5800  }
0x10e: {  	[tilespmem:s10], [sflag:$0x1] =	stream.indirect.gather @p0 [spmem:s6], $0x80, s9, s3, $0xb8;
	[tilespmem:$0x12D00] =	vst v63  }
0x10f: {  	s3 =	simm.s32 @!p0 $0x3  }
0x110: {  	_ =	swait.ge @!p0 [sflag:s3], $0x8000  }
0x111: {  	s9 =	simm.s32 @!p0 $0x1600;
	[sflag:s3] =	ssyncset.done @!p0 $0x0  }
0x112: {  	s10 =	simm.s32 @!p0 $0x1800;
	[sflag:s3] =	ssyncadd.s32 @!p0 $0xFFFF8000;
	s3 =	simm.s32 @!p0 $0x80  }
0x113: {  	[tilespmem:s10], [sflag:$0x1] =	stream.indirect.gather @!p0 [spmem:s6], $0x80, s9, s3, $0xb8;
	[tilespmem:$0x12D00] =	vst v63  }
0x114: {  	s9 =	simm.s32 @!p0 $0x1680;
	s10 =	simm.s32 @!p0 $0x5800  }
0x115: {  	[tilespmem:s10], [sflag:$0x1] =	stream.indirect.gather @!p0 [spmem:s6], $0x80, s9, s3, $0xb8;
	[tilespmem:$0x12D00] =	vst v63  }
0x116: {  	s3 =	simm.s32 @!p0 $0x2  }
0x117: {  	_ =	swait.ge @!p0 [sflag:s3], $0x8000  }
0x118: {  	[sflag:s3] =	ssyncset.done @!p0 $0x0  }
0x119: {  	[sflag:s3] =	ssyncadd.s32 @!p0 $0xFFFF8000;
	s3 =	sshrl.u32 @!p0 s2, $0x3  }
0x11a: {  	s9 =	simm.s32 @!p0 $0x0;
	s10 =	simm.s32 @!p0 $0x9800;
	s3 =	sadd.s32 @!p0 s5, s3  }
0x11b: {  	[hbm4b:s3+s9] =	stream.linear.scatter @!p0 [tilespmem:s10], [sflag:$0x4], $0x8000, $0x38;
	[tilespmem:$0x12D00] =	vst v63  }
0x11c: {  	_ =	swait.ge [sflag:s25], $0x100  }
0x11d: {  	[sflag:s25] =	ssyncset.done $0x0  }
0x11e: {  	p1 =	seq.s32 s0, $0xC40;
	[sflag:s25] =	ssyncadd.s32 $0xFFFFFF00  }
0x11f: {  	s11 =	simm.s32 @!p1 $0x1200;
	_ =	swait.ge [sflag:s25], $0x100  }
0x120: {  	s10 =	simm.s32 @!p1 $0x0;
	s3 =	rddreg [dreg:$0x8];
	[sflag:s25] =	ssyncset.done $0x0  }
0x121: {  	s9 =	rddreg [dreg:$0x7];
	[sflag:s25] =	ssyncadd.s32 $0xFFFFFF00;
	s3 =	sadd.s32 @!p1 s0, s3  }
0x122: {  	[tilespmem:s11], [sflag:$0x5] =	stream.linear.gather @!p1 [hbm4b:s3+s10], $0x100, $0x38;
	[tilespmem:$0x12D00] =	vst v63  }
0x123: {  	s3 =	sadd.s32 @!p1 s0, s9;
	s9 =	simm.s32 @!p1 $0x1400  }
0x124: {  	[tilespmem:s9], [sflag:$0x5] =	stream.linear.gather @!p1 [hbm4b:s3+s10], $0x100, $0x38;
	[tilespmem:$0x12D00] =	vst v63  }
0x125: {  	v43 =	vld [tilespmem:$0x1300]  }
0x126: {  	v44 =	vld [tilespmem:$0x1500]  }
0x127: {  	v45 =	vld [tilespmem:$0x1310]  }
0x128: {  	v46 =	vld [tilespmem:$0x1510]  }
0x129: {  	v47 =	vld [tilespmem:$0x1320]  }
0x12a: {  	v48 =	vld [tilespmem:$0x1520]  }
0x12b: {  	v49 =	vld [tilespmem:$0x1330]  }
0x12c: {  	v50 =	vld [tilespmem:$0x1530]  }
0x12d: {  	v51 =	vld [tilespmem:$0x1340]  }
0x12e: {  	v52 =	vld [tilespmem:$0x1540]  }
0x12f: {  	v53 =	vld [tilespmem:$0x1350]  }
0x130: {  	v54 =	vld [tilespmem:$0x1550]  }
0x131: {  	v55 =	vld [tilespmem:$0x1360]  }
0x132: {  	v56 =	vld [tilespmem:$0x1560]  }
0x133: {  	v57 =	vld [tilespmem:$0x1370]  }
0x134: {  	v58 =	vld [tilespmem:$0x1570]  }
0x135: {  	v59 =	vld [tilespmem:$0x1380]  }
0x136: {  	v60 =	vld [tilespmem:$0x1580]  }
0x137: {  	v61 =	vld [tilespmem:$0x1390]  }
0x138: {  	v62 =	vld [tilespmem:$0x1590];
	v0 =	vmul.u32 $0x7, v43  }
0x139: {  	v63 =	vld [tilespmem:$0x13A0];
	v2 =	vmul.u32 $0x7, v45  }
0x13a: {  	v25 =	vld [tilespmem:$0x15A0];
	v24 =	vmul.u32 $0x7, v47;
	v0 =	vadd.s32 v44, v0  }
0x13b: {  	v28 =	vld [tilespmem:$0x13B0];
	v27 =	vmul.u32 $0x7, v49;
	v26 =	vadd.s32 v46, v2;
	[tilespmem:$0x1700] =	vst v0  }
0x13c: {  	v31 =	vld [tilespmem:$0x15B0];
	v30 =	vmul.u32 $0x7, v51;
	v29 =	vadd.s32 v48, v24;
	[tilespmem:$0x1710] =	vst v26  }
0x13d: {  	v34 =	vld [tilespmem:$0x13C0];
	v33 =	vmul.u32 $0x7, v53;
	v32 =	vadd.s32 v50, v27;
	[tilespmem:$0x1720] =	vst v29  }
0x13e: {  	v37 =	vld [tilespmem:$0x15C0];
	v36 =	vmul.u32 $0x7, v55;
	v35 =	vadd.s32 v52, v30;
	[tilespmem:$0x1730] =	vst v32  }
0x13f: {  	v40 =	vld [tilespmem:$0x13D0];
	v39 =	vmul.u32 $0x7, v57;
	v38 =	vadd.s32 v54, v33;
	[tilespmem:$0x1740] =	vst v35  }
0x140: {  	v42 =	vmul.u32 $0x7, v59;
	v43 =	vld [tilespmem:$0x15D0];
	v41 =	vadd.s32 v56, v36;
	[tilespmem:$0x1750] =	vst v38  }
0x141: {  	v45 =	vmul.u32 $0x7, v61;
	v49 =	vld [tilespmem:$0x13F0];
	v44 =	vadd.s32 v58, v39;
	[tilespmem:$0x1760] =	vst v41  }
0x142: {  	v51 =	vmul.u32 $0x7, v28;
	v46 =	vld [tilespmem:$0x13E0];
	v47 =	vadd.s32 v60, v42;
	[tilespmem:$0x1770] =	vst v44  }
0x143: {  	v55 =	vld [tilespmem:$0x15F0];
	v48 =	vmul.u32 $0x7, v63;
	v50 =	vadd.s32 v62, v45;
	[tilespmem:$0x1780] =	vst v47  }
0x144: {  	v52 =	vld [tilespmem:$0x15E0];
	v54 =	vmul.u32 $0x7, v34;
	v56 =	vadd.s32 v31, v51;
	[tilespmem:$0x1790] =	vst v50  }
0x145: {  	v57 =	vmul.u32 $0x7, v40;
	[tilespmem:$0x17B0] =	vst v56;
	v53 =	vadd.s32 v25, v48  }
0x146: {  	v58 =	vadd.s32 v37, v54;
	[tilespmem:$0x17A0] =	vst v53;
	v61 =	vmul.u32 $0x7, v49  }
0x147: {  	[tilespmem:$0x17C0] =	vst v58;
	v60 =	vadd.s32 v43, v57;
	v59 =	vmul.u32 $0x7, v46  }
0x148: {  	[tilespmem:$0x17D0] =	vst v60;
	v63 =	vadd.s32 v55, v61  }
0x149: {  	[tilespmem:$0x17F0] =	vst v63;
	v62 =	vadd.s32 v52, v59  }
0x14a: {  	s3 =	simm.s32 @!p0 $0x4;
	[tilespmem:$0x17E0] =	vst v62  }
0x14b: {  	_ =	swait.ge @!p0 [sflag:s3], $0x8000  }
0x14c: {  	s19 =	rddreg [dreg:$0xd];
	[sflag:s3] =	ssyncset.done @!p0 $0x0  }
0x14d: {  	s0 =	sadd.s32 $0x40, s0;
	s22 =	rddreg [dreg:$0xe];
	[sflag:s3] =	ssyncadd.s32 @!p0 $0xFFFF8000  }
0x14e: {  	[tilespmem:s28], [sflag:$0x2] =	stream.indirect.gather [spmem:s6], $0x80, s19, s26, $0xb8;
	[tilespmem:$0x12D00] =	vst v63  }
0x14f: {  	s23 =	rddreg [dreg:$0xf];
	p0 =	sne.s32 s0, $0xC80  }
0x150: {  	[tilespmem:s23], [sflag:$0x2] =	stream.indirect.gather [spmem:s6], $0x80, s22, s26, $0xb8;
	[tilespmem:$0x12D00] =	vst v63  }
.Ltmp1:
0x151: {  	_ =	swait.ge [sflag:s20], $0x8000;
	(pc) =	sbr.rel @p0 .LBB2_4-.Ltmp1, $4  }
0x152: {  	[sflag:s20] =	ssyncset.done $0x0  }
0x153: {  	[sflag:s20] =	ssyncadd.s32 $0xFFFF8000  }
0x154: {  	[hbm4b:s15+s7] =	stream.linear.scatter [tilespmem:s21], [sflag:$0x3], $0x8000, $0x38;
	[tilespmem:$0x12D00] =	vst v63  }
0x155: {  	s2 =	sadd.s32 $0x10000, s2;
	s15 =	sadd.s32 $0x2000, s15  }
0x156: {  	_ =	swait.ge [sflag:s29], $0x8000  }
0x157: {  	[sflag:s29] =	ssyncset.done $0x0  }
0x158: {  	s4 =	sadd.s32 $0x1, s4;
	s0 =	rddreg [dreg:$0x13];
	[sflag:s29] =	ssyncadd.s32 $0xFFFF8000  }
0x159: {  	[hbm4b:s0+s7] =	stream.linear.scatter [tilespmem:s28], [sflag:$0x4], $0x8000, $0x38;
	[tilespmem:$0x12D00] =	vst v63  }
0x15a: {  	p0 =	sne.s32 s4, s13;
	_ =	swait.ge [sflag:s30], $0x8000  }
.Ltmp2:
0x15b: {  	[sflag:s30] =	ssyncset.done $0x0;
	(pc) =	sbr.rel @p0 .LBB2_1-.Ltmp2, $4  }
0x15c: {  	[sflag:s30] =	ssyncadd.s32 $0xFFFF8000  }
0x15d: {  	_ =	swait.ge [sflag:s31], $0x8000  }
0x15e: {  	[sflag:s31] =	ssyncset.done $0x0  }
0x15f: {  	[sflag:s31] =	ssyncadd.s32 $0xFFFF8000  }
0x160: {  	_ =	sfence.sel $0x180000  }
0x161: {  	[bflag:$0x0] =	sbarrier.arrive $0xFFFF  }
0x162: {  	_ =	strace $0x90000047  }
0x163: {  	s0 =	stileid.u32;
	[bflag:$0x2] =	sbarrier.arrive $0xFFFF  }
0x164: {  	p0 =	sne.s32 s0, $0x0;
	s0 =	rddreg [dreg:$0x6]  }
0x165: {  	s0 =	sadd.s32 @!p0 $0x100000, s0  }
0x166: {  	[sflag:s0] =	ssyncadd.tile.s32 @!p0 $0x1;
	_ =	shalt  }
.Lfunc_end2:
_tile_overlayer_lowered:
.L_overlay_start_2:
0x167: {  	(tag) =	ssettag $0x2  }
0x168: {  	s0 =	rddreg [dreg:$0x0];
	s2 =	stileid.u32  }
0x169: {  	s1 =	rddreg [dreg:$0x1];
	p0 =	sne.s32 s2, $0x0  }
0x16a: {  	s3 =	rddreg [dreg:$0x2];
	[bflag:$0x3] =	sbarrier.arrive $0xFFFF;
	s2 =	simm.s32 @!p0 $0x1C07  }
0x16b: {  	[timem:s3], [sflag:s2] =	dma.local @!p0 [hbm:s0], s1  }
0x16c: {  	s0 =	simm.s32 @!p0 $0x7  }
0x16d: {  	_ =	swait.ge @!p0 [sflag:s0], s1  }
0x16e: {  	s1 =	ssub.s32 @!p0 $0x0, s1;
	[sflag:s0] =	ssyncset.done @!p0 $0x0  }
0x16f: {  	[sflag:s0] =	ssyncadd.s32 @!p0 s1  }
0x170: {  	[bflag:$0x3] =	sbarrier.arrive $0xFFFF  }
0x171: {  	_ =	shalt  }

</sc_bundles>
